<compile_context>
chip_gen: v7x
topology: tpu7x:2x2x1
jax: 0.10.2.dev20260603
libtpu: 0.0.44.dev20260713+nightly
codegen_flags: <defaults>
</compile_context>

<pallas_src>
import functools

import jax
import jax.numpy as jnp
from jax import lax
from jax.experimental import pallas as pl
from jax.experimental.pallas import tpu as pltpu
from jax.experimental.pallas import tpu_sc as plsc

_B, _S, _D = 4, 8192, 4096
_N = _B * _S
_NC, _NS = 2, 16
_NW = _NC * _NS
_PER_W = _N // _NW
_ROWS = 128
_NBOX = _PER_W // _ROWS
_L = 16
_IDX = 3

_mesh = plsc.VectorSubcoreMesh(core_axis_name="c", subcore_axis_name="s")


@functools.partial(
    pl.kernel,
    mesh=_mesh,
    out_type=jax.ShapeDtypeStruct((_NW, _NBOX, 128), jnp.float32),
    scratch_types=[
        pltpu.VMEM((2, _ROWS, 128), jnp.float32),
        pltpu.VMEM((_NBOX, 128), jnp.float32),
        pltpu.SemaphoreType.DMA,
        pltpu.SemaphoreType.DMA,
    ],
    compiler_params=pltpu.CompilerParams(
        use_tc_tiling_on_sc=True, needs_layout_passes=False
    ),
)
def _select_copy(in_hbm, out_hbm, tiles_v, out_v, sem0, sem1):
    wid = lax.axis_index("s") * _NC + lax.axis_index("c")
    base = wid * _PER_W
    sems = (sem0, sem1)
    copies = [
        pltpu.make_async_copy(
            in_hbm.at[pl.ds(base + c * _ROWS, _ROWS), pl.ds(0, 128)],
            tiles_v.at[c % 2],
            sems[c % 2],
        )
        for c in range(_NBOX)
    ]
    copies[0].start()
    copies[1].start()
    iota = lax.iota(jnp.int32, _L)
    lane = jnp.full((_L,), _IDX, dtype=jnp.int32)
    for c in range(_NBOX):
        copies[c].wait()
        crow = jnp.full((_L,), c, dtype=jnp.int32)
        for j in range(_ROWS // _L):
            rows = iota + j * _L
            vals = plsc.load_gather(tiles_v.at[c % 2], [rows, lane])
            plsc.store_scatter(out_v, [crow, iota + j * _L], vals)
        if c + 2 < _NBOX:
            copies[c + 2].start()
    pltpu.sync_copy(out_v, out_hbm.at[wid])


def kernel(input_):
    in2d = input_.reshape(_N, _D)
    out = _select_copy(in2d)
    return out.reshape(_B, _S, 1)

# --- scband reference (transcript-rebuilt; emitter-appended) ---
"""Pipeline reference for scband-simple-index-select-with-const-scalar-index-89721866813587 (READ-ONLY COPY).

The authoritative reference and input builder live on the scoring server;
editing this copy changes nothing except your own understanding.
"""

import jax, jax.numpy as jnp
import numpy as np

def setup_inputs(seed: int = 0) -> dict:
    key = jax.random.key(seed)
    input_ = jax.random.normal(key, (4, 8192, 4096), dtype=jnp.float32)
    return {"input_": input_}

def reference(input_):
    idx = jnp.array([3], dtype=jnp.int32)
    result = jnp.take(input_, idx, axis=2)
    return result

if __name__ == "__main__":
    import jax
    _d = setup_inputs()
    print(jax.jit(kernel)(*tuple(_d.values())))

</pallas_src>

<mosaic_0001>
#map = affine_map<(d0, d1) -> (0, 0)>
#map1 = affine_map<(d0, d1) -> (0, 0, 0)>
module attributes {stable_mosaic.version = 14 : i64} {
  func.func @_select_copy(%arg0: i32, %arg1: i32, %arg2: memref<32768x4096xf32, #tpu.memory_space<hbm>>, %arg3: memref<32x8x128xf32, #tpu.memory_space<hbm>>, %arg4: memref<2x128x128xf32, #tpu.memory_space<vmem>>, %arg5: memref<8x128xf32, #tpu.memory_space<vmem>>, %arg6: memref<!tpu.dma_semaphore, #tpu.memory_space<semaphore_mem>>, %arg7: memref<!tpu.dma_semaphore, #tpu.memory_space<semaphore_mem>>) attributes {dimension_semantics = [#tpu.dimension_semantics<core_parallel>, #tpu.dimension_semantics<subcore_parallel>], iteration_bounds = array<i64: 2, 16>, scalar_prefetch = 0 : i64, scratch_operands = 4 : i64, tpu.core_type = #tpu.core_type<sc_vector_subcore>, window_params = [{transform_indices = #map}, {transform_indices = #map1}]} {
    %mul3A = arith.constant 2 : i32
    %mul3A_0 = arith.muli %arg1, %mul3A : i32
    %add3A = arith.addi %mul3A_0, %arg0 : i32
    %mul3A_1 = arith.constant 1024 : i32
    %mul3A_2 = arith.muli %add3A, %mul3A_1 : i32
    %add3A_3 = arith.constant 0 : i32
    %add3A_4 = arith.addi %mul3A_2, %add3A_3 : i32
    %add3A_5 = arith.constant 128 : i32
    %add3A_6 = arith.addi %mul3A_2, %add3A_5 : i32
    %add3A_7 = arith.constant 256 : i32
    %add3A_8 = arith.addi %mul3A_2, %add3A_7 : i32
    %add3A_9 = arith.constant 384 : i32
    %add3A_10 = arith.addi %mul3A_2, %add3A_9 : i32
    %add3A_11 = arith.constant 512 : i32
    %add3A_12 = arith.addi %mul3A_2, %add3A_11 : i32
    %add3A_13 = arith.constant 640 : i32
    %add3A_14 = arith.addi %mul3A_2, %add3A_13 : i32
    %add3A_15 = arith.constant 768 : i32
    %add3A_16 = arith.addi %mul3A_2, %add3A_15 : i32
    %add3A_17 = arith.constant 896 : i32
    %add3A_18 = arith.addi %mul3A_2, %add3A_17 : i32
    %dma_start3A = arith.constant 0 : i32
    %dma_start3A_19 = arith.constant 0 : i32
    %dma_start3A_20 = arith.constant 0 : i32
    %dma_start3A_21 = tpu.memref_slice %arg4[%dma_start3A, %dma_start3A_19, %dma_start3A_20] : memref<2x128x128xf32, #tpu.memory_space<vmem>> -> memref<1x128x128xf32, #tpu.memory_space<vmem>>
    %dma_start3A_22 = tpu.memref_squeeze %dma_start3A_21 : memref<1x128x128xf32, #tpu.memory_space<vmem>> -> memref<128x128xf32, #tpu.memory_space<vmem>>
    %dma_start3A_23 = arith.constant 0 : i32
    %dma_start3A_24 = tpu.memref_slice %arg2[%add3A_4, %dma_start3A_23] : memref<32768x4096xf32, #tpu.memory_space<hbm>> -> memref<128x128xf32, #tpu.memory_space<hbm>>
    %dma_start3A_25 = arith.constant 0 : i32
    %dma_start3A_26 = arith.constant 0 : i32
    %dma_start3A_27 = tpu.memref_slice %arg4[%dma_start3A, %dma_start3A_25, %dma_start3A_26] : memref<2x128x128xf32, #tpu.memory_space<vmem>> -> memref<1x128x128xf32, #tpu.memory_space<vmem>>
    %dma_start3A_28 = tpu.memref_squeeze %dma_start3A_27 : memref<1x128x128xf32, #tpu.memory_space<vmem>> -> memref<128x128xf32, #tpu.memory_space<vmem>>
    %dma_start3A_29 = arith.constant 0 : i32
    %dma_start3A_30 = tpu.memref_slice %arg2[%add3A_4, %dma_start3A_29] : memref<32768x4096xf32, #tpu.memory_space<hbm>> -> memref<128x128xf32, #tpu.memory_space<hbm>>
    tpu.enqueue_dma source(%dma_start3A_30 : memref<128x128xf32, #tpu.memory_space<hbm>>) target(%dma_start3A_28 : memref<128x128xf32, #tpu.memory_space<vmem>>) target_semaphore(%arg6 : memref<!tpu.dma_semaphore, #tpu.memory_space<semaphore_mem>>)
    %dma_start3A_31 = arith.constant 1 : i32
    %dma_start3A_32 = arith.constant 0 : i32
    %dma_start3A_33 = arith.constant 0 : i32
    %dma_start3A_34 = tpu.memref_slice %arg4[%dma_start3A_31, %dma_start3A_32, %dma_start3A_33] : memref<2x128x128xf32, #tpu.memory_space<vmem>> -> memref<1x128x128xf32, #tpu.memory_space<vmem>>
    %dma_start3A_35 = tpu.memref_squeeze %dma_start3A_34 : memref<1x128x128xf32, #tpu.memory_space<vmem>> -> memref<128x128xf32, #tpu.memory_space<vmem>>
    %dma_start3A_36 = arith.constant 0 : i32
    %dma_start3A_37 = tpu.memref_slice %arg2[%add3A_6, %dma_start3A_36] : memref<32768x4096xf32, #tpu.memory_space<hbm>> -> memref<128x128xf32, #tpu.memory_space<hbm>>
    %dma_start3A_38 = arith.constant 0 : i32
    %dma_start3A_39 = arith.constant 0 : i32
    %dma_start3A_40 = tpu.memref_slice %arg4[%dma_start3A_31, %dma_start3A_38, %dma_start3A_39] : memref<2x128x128xf32, #tpu.memory_space<vmem>> -> memref<1x128x128xf32, #tpu.memory_space<vmem>>
    %dma_start3A_41 = tpu.memref_squeeze %dma_start3A_40 : memref<1x128x128xf32, #tpu.memory_space<vmem>> -> memref<128x128xf32, #tpu.memory_space<vmem>>
    %dma_start3A_42 = arith.constant 0 : i32
    %dma_start3A_43 = tpu.memref_slice %arg2[%add3A_6, %dma_start3A_42] : memref<32768x4096xf32, #tpu.memory_space<hbm>> -> memref<128x128xf32, #tpu.memory_space<hbm>>
    tpu.enqueue_dma source(%dma_start3A_43 : memref<128x128xf32, #tpu.memory_space<hbm>>) target(%dma_start3A_41 : memref<128x128xf32, #tpu.memory_space<vmem>>) target_semaphore(%arg7 : memref<!tpu.dma_semaphore, #tpu.memory_space<semaphore_mem>>)
    %iota3A = tpu.iota {dimensions = array<i32: 0>} : vector<16xi32>
    %broadcast_in_dim3A = arith.constant 3 : i32
    %broadcast_in_dim3A_44 = vector.broadcast %broadcast_in_dim3A : i32 to vector<16xi32>
    %dma_wait3A = arith.constant 0 : i32
    %dma_wait3A_45 = arith.constant 0 : i32
    %dma_wait3A_46 = arith.constant 0 : i32
    %dma_wait3A_47 = tpu.memref_slice %arg4[%dma_wait3A, %dma_wait3A_45, %dma_wait3A_46] : memref<2x128x128xf32, #tpu.memory_space<vmem>> -> memref<1x128x128xf32, #tpu.memory_space<vmem>>
    %dma_wait3A_48 = tpu.memref_squeeze %dma_wait3A_47 : memref<1x128x128xf32, #tpu.memory_space<vmem>> -> memref<128x128xf32, #tpu.memory_space<vmem>>
    %dma_wait3A_49 = arith.constant 0 : i32
    %dma_wait3A_50 = tpu.memref_slice %arg2[%add3A_4, %dma_wait3A_49] : memref<32768x4096xf32, #tpu.memory_space<hbm>> -> memref<128x128xf32, #tpu.memory_space<hbm>>
    %dma_wait3A_51 = arith.constant 0 : i32
    %dma_wait3A_52 = arith.constant 0 : i32
    %dma_wait3A_53 = tpu.memref_slice %arg4[%dma_wait3A, %dma_wait3A_51, %dma_wait3A_52] : memref<2x128x128xf32, #tpu.memory_space<vmem>> -> memref<1x128x128xf32, #tpu.memory_space<vmem>>
    %dma_wait3A_54 = tpu.memref_squeeze %dma_wait3A_53 : memref<1x128x128xf32, #tpu.memory_space<vmem>> -> memref<128x128xf32, #tpu.memory_space<vmem>>
    %dma_wait3A_55 = arith.constant 0 : i32
    %dma_wait3A_56 = tpu.memref_slice %arg2[%add3A_4, %dma_wait3A_55] : memref<32768x4096xf32, #tpu.memory_space<hbm>> -> memref<128x128xf32, #tpu.memory_space<hbm>>
    tpu.wait_dma2 semaphore(%arg6 : memref<!tpu.dma_semaphore, #tpu.memory_space<semaphore_mem>>) src(%dma_wait3A_56 : memref<128x128xf32, #tpu.memory_space<hbm>>) dst(%dma_wait3A_54 : memref<128x128xf32, #tpu.memory_space<vmem>>)
    %broadcast_in_dim3A_57 = arith.constant 0 : i32
    %broadcast_in_dim3A_58 = vector.broadcast %broadcast_in_dim3A_57 : i32 to vector<16xi32>
    %add3A_59 = arith.constant 0 : i32
    %add3A_60 = vector.broadcast %add3A_59 : i32 to vector<16xi32>
    %add3A_61 = arith.addi %iota3A, %add3A_60 : vector<16xi32>
    %gather3A = arith.constant 0 : i32
    %gather3A_62 = arith.constant 0 : i32
    %gather3A_63 = arith.constant 0 : i32
    %gather3A_64 = tpu.memref_slice %arg4[%gather3A, %gather3A_62, %gather3A_63] : memref<2x128x128xf32, #tpu.memory_space<vmem>> -> memref<1x128x128xf32, #tpu.memory_space<vmem>>
    %gather3A_65 = tpu.memref_squeeze %gather3A_64 : memref<1x128x128xf32, #tpu.memory_space<vmem>> -> memref<128x128xf32, #tpu.memory_space<vmem>>
    %gather3A_66 = tpu.vector_load_idx %gather3A_65[%add3A_61, %broadcast_in_dim3A_44] : memref<128x128xf32, #tpu.memory_space<vmem>>[vector<16xi32>, vector<16xi32>], vector<16xf32>,
    %add3A_67 = arith.constant 0 : i32
    %add3A_68 = vector.broadcast %add3A_67 : i32 to vector<16xi32>
    %add3A_69 = arith.addi %iota3A, %add3A_68 : vector<16xi32>
    tpu.vector_store_idx %arg5[%broadcast_in_dim3A_58, %add3A_69], %gather3A_66 : memref<8x128xf32, #tpu.memory_space<vmem>>[vector<16xi32>, vector<16xi32>], vector<16xf32>,
    %add3A_70 = arith.constant 16 : i32
    %add3A_71 = vector.broadcast %add3A_70 : i32 to vector<16xi32>
    %add3A_72 = arith.addi %iota3A, %add3A_71 : vector<16xi32>
    %gather3A_73 = arith.constant 0 : i32
    %gather3A_74 = arith.constant 0 : i32
    %gather3A_75 = arith.constant 0 : i32
    %gather3A_76 = tpu.memref_slice %arg4[%gather3A_73, %gather3A_74, %gather3A_75] : memref<2x128x128xf32, #tpu.memory_space<vmem>> -> memref<1x128x128xf32, #tpu.memory_space<vmem>>
    %gather3A_77 = tpu.memref_squeeze %gather3A_76 : memref<1x128x128xf32, #tpu.memory_space<vmem>> -> memref<128x128xf32, #tpu.memory_space<vmem>>
    %gather3A_78 = tpu.vector_load_idx %gather3A_77[%add3A_72, %broadcast_in_dim3A_44] : memref<128x128xf32, #tpu.memory_space<vmem>>[vector<16xi32>, vector<16xi32>], vector<16xf32>,
    %add3A_79 = arith.constant 16 : i32
    %add3A_80 = vector.broadcast %add3A_79 : i32 to vector<16xi32>
    %add3A_81 = arith.addi %iota3A, %add3A_80 : vector<16xi32>
    tpu.vector_store_idx %arg5[%broadcast_in_dim3A_58, %add3A_81], %gather3A_78 : memref<8x128xf32, #tpu.memory_space<vmem>>[vector<16xi32>, vector<16xi32>], vector<16xf32>,
    %add3A_82 = arith.constant 32 : i32
    %add3A_83 = vector.broadcast %add3A_82 : i32 to vector<16xi32>
    %add3A_84 = arith.addi %iota3A, %add3A_83 : vector<16xi32>
    %gather3A_85 = arith.constant 0 : i32
    %gather3A_86 = arith.constant 0 : i32
    %gather3A_87 = arith.constant 0 : i32
    %gather3A_88 = tpu.memref_slice %arg4[%gather3A_85, %gather3A_86, %gather3A_87] : memref<2x128x128xf32, #tpu.memory_space<vmem>> -> memref<1x128x128xf32, #tpu.memory_space<vmem>>
    %gather3A_89 = tpu.memref_squeeze %gather3A_88 : memref<1x128x128xf32, #tpu.memory_space<vmem>> -> memref<128x128xf32, #tpu.memory_space<vmem>>
    %gather3A_90 = tpu.vector_load_idx %gather3A_89[%add3A_84, %broadcast_in_dim3A_44] : memref<128x128xf32, #tpu.memory_space<vmem>>[vector<16xi32>, vector<16xi32>], vector<16xf32>,
    %add3A_91 = arith.constant 32 : i32
    %add3A_92 = vector.broadcast %add3A_91 : i32 to vector<16xi32>
    %add3A_93 = arith.addi %iota3A, %add3A_92 : vector<16xi32>
    tpu.vector_store_idx %arg5[%broadcast_in_dim3A_58, %add3A_93], %gather3A_90 : memref<8x128xf32, #tpu.memory_space<vmem>>[vector<16xi32>, vector<16xi32>], vector<16xf32>,
    %add3A_94 = arith.constant 48 : i32
    %add3A_95 = vector.broadcast %add3A_94 : i32 to vector<16xi32>
    %add3A_96 = arith.addi %iota3A, %add3A_95 : vector<16xi32>
    %gather3A_97 = arith.constant 0 : i32
    %gather3A_98 = arith.constant 0 : i32
    %gather3A_99 = arith.constant 0 : i32
    %gather3A_100 = tpu.memref_slice %arg4[%gather3A_97, %gather3A_98, %gather3A_99] : memref<2x128x128xf32, #tpu.memory_space<vmem>> -> memref<1x128x128xf32, #tpu.memory_space<vmem>>
    %gather3A_101 = tpu.memref_squeeze %gather3A_100 : memref<1x128x128xf32, #tpu.memory_space<vmem>> -> memref<128x128xf32, #tpu.memory_space<vmem>>
    %gather3A_102 = tpu.vector_load_idx %gather3A_101[%add3A_96, %broadcast_in_dim3A_44] : memref<128x128xf32, #tpu.memory_space<vmem>>[vector<16xi32>, vector<16xi32>], vector<16xf32>,
    %add3A_103 = arith.constant 48 : i32
    %add3A_104 = vector.broadcast %add3A_103 : i32 to vector<16xi32>
    %add3A_105 = arith.addi %iota3A, %add3A_104 : vector<16xi32>
    tpu.vector_store_idx %arg5[%broadcast_in_dim3A_58, %add3A_105], %gather3A_102 : memref<8x128xf32, #tpu.memory_space<vmem>>[vector<16xi32>, vector<16xi32>], vector<16xf32>,
    %add3A_106 = arith.constant 64 : i32
    %add3A_107 = vector.broadcast %add3A_106 : i32 to vector<16xi32>
    %add3A_108 = arith.addi %iota3A, %add3A_107 : vector<16xi32>
    %gather3A_109 = arith.constant 0 : i32
    %gather3A_110 = arith.constant 0 : i32
    %gather3A_111 = arith.constant 0 : i32
    %gather3A_112 = tpu.memref_slice %arg4[%gather3A_109, %gather3A_110, %gather3A_111] : memref<2x128x128xf32, #tpu.memory_space<vmem>> -> memref<1x128x128xf32, #tpu.memory_space<vmem>>
    %gather3A_113 = tpu.memref_squeeze %gather3A_112 : memref<1x128x128xf32, #tpu.memory_space<vmem>> -> memref<128x128xf32, #tpu.memory_space<vmem>>
    %gather3A_114 = tpu.vector_load_idx %gather3A_113[%add3A_108, %broadcast_in_dim3A_44] : memref<128x128xf32, #tpu.memory_space<vmem>>[vector<16xi32>, vector<16xi32>], vector<16xf32>,
    %add3A_115 = arith.constant 64 : i32
    %add3A_116 = vector.broadcast %add3A_115 : i32 to vector<16xi32>
    %add3A_117 = arith.addi %iota3A, %add3A_116 : vector<16xi32>
    tpu.vector_store_idx %arg5[%broadcast_in_dim3A_58, %add3A_117], %gather3A_114 : memref<8x128xf32, #tpu.memory_space<vmem>>[vector<16xi32>, vector<16xi32>], vector<16xf32>,
    %add3A_118 = arith.constant 80 : i32
    %add3A_119 = vector.broadcast %add3A_118 : i32 to vector<16xi32>
    %add3A_120 = arith.addi %iota3A, %add3A_119 : vector<16xi32>
    %gather3A_121 = arith.constant 0 : i32
    %gather3A_122 = arith.constant 0 : i32
    %gather3A_123 = arith.constant 0 : i32
    %gather3A_124 = tpu.memref_slice %arg4[%gather3A_121, %gather3A_122, %gather3A_123] : memref<2x128x128xf32, #tpu.memory_space<vmem>> -> memref<1x128x128xf32, #tpu.memory_space<vmem>>
    %gather3A_125 = tpu.memref_squeeze %gather3A_124 : memref<1x128x128xf32, #tpu.memory_space<vmem>> -> memref<128x128xf32, #tpu.memory_space<vmem>>
    %gather3A_126 = tpu.vector_load_idx %gather3A_125[%add3A_120, %broadcast_in_dim3A_44] : memref<128x128xf32, #tpu.memory_space<vmem>>[vector<16xi32>, vector<16xi32>], vector<16xf32>,
    %add3A_127 = arith.constant 80 : i32
    %add3A_128 = vector.broadcast %add3A_127 : i32 to vector<16xi32>
    %add3A_129 = arith.addi %iota3A, %add3A_128 : vector<16xi32>
    tpu.vector_store_idx %arg5[%broadcast_in_dim3A_58, %add3A_129], %gather3A_126 : memref<8x128xf32, #tpu.memory_space<vmem>>[vector<16xi32>, vector<16xi32>], vector<16xf32>,
    %add3A_130 = arith.constant 96 : i32
    %add3A_131 = vector.broadcast %add3A_130 : i32 to vector<16xi32>
    %add3A_132 = arith.addi %iota3A, %add3A_131 : vector<16xi32>
    %gather3A_133 = arith.constant 0 : i32
    %gather3A_134 = arith.constant 0 : i32
    %gather3A_135 = arith.constant 0 : i32
    %gather3A_136 = tpu.memref_slice %arg4[%gather3A_133, %gather3A_134, %gather3A_135] : memref<2x128x128xf32, #tpu.memory_space<vmem>> -> memref<1x128x128xf32, #tpu.memory_space<vmem>>
    %gather3A_137 = tpu.memref_squeeze %gather3A_136 : memref<1x128x128xf32, #tpu.memory_space<vmem>> -> memref<128x128xf32, #tpu.memory_space<vmem>>
    %gather3A_138 = tpu.vector_load_idx %gather3A_137[%add3A_132, %broadcast_in_dim3A_44] : memref<128x128xf32, #tpu.memory_space<vmem>>[vector<16xi32>, vector<16xi32>], vector<16xf32>,
    %add3A_139 = arith.constant 96 : i32
    %add3A_140 = vector.broadcast %add3A_139 : i32 to vector<16xi32>
    %add3A_141 = arith.addi %iota3A, %add3A_140 : vector<16xi32>
    tpu.vector_store_idx %arg5[%broadcast_in_dim3A_58, %add3A_141], %gather3A_138 : memref<8x128xf32, #tpu.memory_space<vmem>>[vector<16xi32>, vector<16xi32>], vector<16xf32>,
    %add3A_142 = arith.constant 112 : i32
    %add3A_143 = vector.broadcast %add3A_142 : i32 to vector<16xi32>
    %add3A_144 = arith.addi %iota3A, %add3A_143 : vector<16xi32>
    %gather3A_145 = arith.constant 0 : i32
    %gather3A_146 = arith.constant 0 : i32
    %gather3A_147 = arith.constant 0 : i32
    %gather3A_148 = tpu.memref_slice %arg4[%gather3A_145, %gather3A_146, %gather3A_147] : memref<2x128x128xf32, #tpu.memory_space<vmem>> -> memref<1x128x128xf32, #tpu.memory_space<vmem>>
    %gather3A_149 = tpu.memref_squeeze %gather3A_148 : memref<1x128x128xf32, #tpu.memory_space<vmem>> -> memref<128x128xf32, #tpu.memory_space<vmem>>
    %gather3A_150 = tpu.vector_load_idx %gather3A_149[%add3A_144, %broadcast_in_dim3A_44] : memref<128x128xf32, #tpu.memory_space<vmem>>[vector<16xi32>, vector<16xi32>], vector<16xf32>,
    %add3A_151 = arith.constant 112 : i32
    %add3A_152 = vector.broadcast %add3A_151 : i32 to vector<16xi32>
    %add3A_153 = arith.addi %iota3A, %add3A_152 : vector<16xi32>
    tpu.vector_store_idx %arg5[%broadcast_in_dim3A_58, %add3A_153], %gather3A_150 : memref<8x128xf32, #tpu.memory_space<vmem>>[vector<16xi32>, vector<16xi32>], vector<16xf32>,
    %dma_start3A_154 = arith.constant 0 : i32
    %dma_start3A_155 = arith.constant 0 : i32
    %dma_start3A_156 = arith.constant 0 : i32
    %dma_start3A_157 = tpu.memref_slice %arg4[%dma_start3A_154, %dma_start3A_155, %dma_start3A_156] : memref<2x128x128xf32, #tpu.memory_space<vmem>> -> memref<1x128x128xf32, #tpu.memory_space<vmem>>
    %dma_start3A_158 = tpu.memref_squeeze %dma_start3A_157 : memref<1x128x128xf32, #tpu.memory_space<vmem>> -> memref<128x128xf32, #tpu.memory_space<vmem>>
    %dma_start3A_159 = arith.constant 0 : i32
    %dma_start3A_160 = tpu.memref_slice %arg2[%add3A_8, %dma_start3A_159] : memref<32768x4096xf32, #tpu.memory_space<hbm>> -> memref<128x128xf32, #tpu.memory_space<hbm>>
    %dma_start3A_161 = arith.constant 0 : i32
    %dma_start3A_162 = arith.constant 0 : i32
    %dma_start3A_163 = tpu.memref_slice %arg4[%dma_start3A_154, %dma_start3A_161, %dma_start3A_162] : memref<2x128x128xf32, #tpu.memory_space<vmem>> -> memref<1x128x128xf32, #tpu.memory_space<vmem>>
    %dma_start3A_164 = tpu.memref_squeeze %dma_start3A_163 : memref<1x128x128xf32, #tpu.memory_space<vmem>> -> memref<128x128xf32, #tpu.memory_space<vmem>>
    %dma_start3A_165 = arith.constant 0 : i32
    %dma_start3A_166 = tpu.memref_slice %arg2[%add3A_8, %dma_start3A_165] : memref<32768x4096xf32, #tpu.memory_space<hbm>> -> memref<128x128xf32, #tpu.memory_space<hbm>>
    tpu.enqueue_dma source(%dma_start3A_166 : memref<128x128xf32, #tpu.memory_space<hbm>>) target(%dma_start3A_164 : memref<128x128xf32, #tpu.memory_space<vmem>>) target_semaphore(%arg6 : memref<!tpu.dma_semaphore, #tpu.memory_space<semaphore_mem>>)
    %dma_wait3A_167 = arith.constant 1 : i32
    %dma_wait3A_168 = arith.constant 0 : i32
    %dma_wait3A_169 = arith.constant 0 : i32
    %dma_wait3A_170 = tpu.memref_slice %arg4[%dma_wait3A_167, %dma_wait3A_168, %dma_wait3A_169] : memref<2x128x128xf32, #tpu.memory_space<vmem>> -> memref<1x128x128xf32, #tpu.memory_space<vmem>>
    %dma_wait3A_171 = tpu.memref_squeeze %dma_wait3A_170 : memref<1x128x128xf32, #tpu.memory_space<vmem>> -> memref<128x128xf32, #tpu.memory_space<vmem>>
    %dma_wait3A_172 = arith.constant 0 : i32
    %dma_wait3A_173 = tpu.memref_slice %arg2[%add3A_6, %dma_wait3A_172] : memref<32768x4096xf32, #tpu.memory_space<hbm>> -> memref<128x128xf32, #tpu.memory_space<hbm>>
    %dma_wait3A_174 = arith.constant 0 : i32
    %dma_wait3A_175 = arith.constant 0 : i32
    %dma_wait3A_176 = tpu.memref_slice %arg4[%dma_wait3A_167, %dma_wait3A_174, %dma_wait3A_175] : memref<2x128x128xf32, #tpu.memory_space<vmem>> -> memref<1x128x128xf32, #tpu.memory_space<vmem>>
    %dma_wait3A_177 = tpu.memref_squeeze %dma_wait3A_176 : memref<1x128x128xf32, #tpu.memory_space<vmem>> -> memref<128x128xf32, #tpu.memory_space<vmem>>
    %dma_wait3A_178 = arith.constant 0 : i32
    %dma_wait3A_179 = tpu.memref_slice %arg2[%add3A_6, %dma_wait3A_178] : memref<32768x4096xf32, #tpu.memory_space<hbm>> -> memref<128x128xf32, #tpu.memory_space<hbm>>
    tpu.wait_dma2 semaphore(%arg7 : memref<!tpu.dma_semaphore, #tpu.memory_space<semaphore_mem>>) src(%dma_wait3A_179 : memref<128x128xf32, #tpu.memory_space<hbm>>) dst(%dma_wait3A_177 : memref<128x128xf32, #tpu.memory_space<vmem>>)
    %broadcast_in_dim3A_180 = arith.constant 1 : i32
    %broadcast_in_dim3A_181 = vector.broadcast %broadcast_in_dim3A_180 : i32 to vector<16xi32>
    %add3A_182 = arith.constant 0 : i32
    %add3A_183 = vector.broadcast %add3A_182 : i32 to vector<16xi32>
    %add3A_184 = arith.addi %iota3A, %add3A_183 : vector<16xi32>
    %gather3A_185 = arith.constant 1 : i32
    %gather3A_186 = arith.constant 0 : i32
    %gather3A_187 = arith.constant 0 : i32
    %gather3A_188 = tpu.memref_slice %arg4[%gather3A_185, %gather3A_186, %gather3A_187] : memref<2x128x128xf32, #tpu.memory_space<vmem>> -> memref<1x128x128xf32, #tpu.memory_space<vmem>>
    %gather3A_189 = tpu.memref_squeeze %gather3A_188 : memref<1x128x128xf32, #tpu.memory_space<vmem>> -> memref<128x128xf32, #tpu.memory_space<vmem>>
    %gather3A_190 = tpu.vector_load_idx %gather3A_189[%add3A_184, %broadcast_in_dim3A_44] : memref<128x128xf32, #tpu.memory_space<vmem>>[vector<16xi32>, vector<16xi32>], vector<16xf32>,
    %add3A_191 = arith.constant 0 : i32
    %add3A_192 = vector.broadcast %add3A_191 : i32 to vector<16xi32>
    %add3A_193 = arith.addi %iota3A, %add3A_192 : vector<16xi32>
    tpu.vector_store_idx %arg5[%broadcast_in_dim3A_181, %add3A_193], %gather3A_190 : memref<8x128xf32, #tpu.memory_space<vmem>>[vector<16xi32>, vector<16xi32>], vector<16xf32>,
    %add3A_194 = arith.constant 16 : i32
    %add3A_195 = vector.broadcast %add3A_194 : i32 to vector<16xi32>
    %add3A_196 = arith.addi %iota3A, %add3A_195 : vector<16xi32>
    %gather3A_197 = arith.constant 1 : i32
    %gather3A_198 = arith.constant 0 : i32
    %gather3A_199 = arith.constant 0 : i32
    %gather3A_200 = tpu.memref_slice %arg4[%gather3A_197, %gather3A_198, %gather3A_199] : memref<2x128x128xf32, #tpu.memory_space<vmem>> -> memref<1x128x128xf32, #tpu.memory_space<vmem>>
    %gather3A_201 = tpu.memref_squeeze %gather3A_200 : memref<1x128x128xf32, #tpu.memory_space<vmem>> -> memref<128x128xf32, #tpu.memory_space<vmem>>
    %gather3A_202 = tpu.vector_load_idx %gather3A_201[%add3A_196, %broadcast_in_dim3A_44] : memref<128x128xf32, #tpu.memory_space<vmem>>[vector<16xi32>, vector<16xi32>], vector<16xf32>,
    %add3A_203 = arith.constant 16 : i32
    %add3A_204 = vector.broadcast %add3A_203 : i32 to vector<16xi32>
    %add3A_205 = arith.addi %iota3A, %add3A_204 : vector<16xi32>
    tpu.vector_store_idx %arg5[%broadcast_in_dim3A_181, %add3A_205], %gather3A_202 : memref<8x128xf32, #tpu.memory_space<vmem>>[vector<16xi32>, vector<16xi32>], vector<16xf32>,
    %add3A_206 = arith.constant 32 : i32
    %add3A_207 = vector.broadcast %add3A_206 : i32 to vector<16xi32>
    %add3A_208 = arith.addi %iota3A, %add3A_207 : vector<16xi32>
    %gather3A_209 = arith.constant 1 : i32
    %gather3A_210 = arith.constant 0 : i32
    %gather3A_211 = arith.constant 0 : i32
    %gather3A_212 = tpu.memref_slice %arg4[%gather3A_209, %gather3A_210, %gather3A_211] : memref<2x128x128xf32, #tpu.memory_space<vmem>> -> memref<1x128x128xf32, #tpu.memory_space<vmem>>
    %gather3A_213 = tpu.memref_squeeze %gather3A_212 : memref<1x128x128xf32, #tpu.memory_space<vmem>> -> memref<128x128xf32, #tpu.memory_space<vmem>>
    %gather3A_214 = tpu.vector_load_idx %gather3A_213[%add3A_208, %broadcast_in_dim3A_44] : memref<128x128xf32, #tpu.memory_space<vmem>>[vector<16xi32>, vector<16xi32>], vector<16xf32>,
    %add3A_215 = arith.constant 32 : i32
    %add3A_216 = vector.broadcast %add3A_215 : i32 to vector<16xi32>
    %add3A_217 = arith.addi %iota3A, %add3A_216 : vector<16xi32>
    tpu.vector_store_idx %arg5[%broadcast_in_dim3A_181, %add3A_217], %gather3A_214 : memref<8x128xf32, #tpu.memory_space<vmem>>[vector<16xi32>, vector<16xi32>], vector<16xf32>,
    %add3A_218 = arith.constant 48 : i32
    %add3A_219 = vector.broadcast %add3A_218 : i32 to vector<16xi32>
    %add3A_220 = arith.addi %iota3A, %add3A_219 : vector<16xi32>
    %gather3A_221 = arith.constant 1 : i32
    %gather3A_222 = arith.constant 0 : i32
    %gather3A_223 = arith.constant 0 : i32
    %gather3A_224 = tpu.memref_slice %arg4[%gather3A_221, %gather3A_222, %gather3A_223] : memref<2x128x128xf32, #tpu.memory_space<vmem>> -> memref<1x128x128xf32, #tpu.memory_space<vmem>>
    %gather3A_225 = tpu.memref_squeeze %gather3A_224 : memref<1x128x128xf32, #tpu.memory_space<vmem>> -> memref<128x128xf32, #tpu.memory_space<vmem>>
    %gather3A_226 = tpu.vector_load_idx %gather3A_225[%add3A_220, %broadcast_in_dim3A_44] : memref<128x128xf32, #tpu.memory_space<vmem>>[vector<16xi32>, vector<16xi32>], vector<16xf32>,
    %add3A_227 = arith.constant 48 : i32
    %add3A_228 = vector.broadcast %add3A_227 : i32 to vector<16xi32>
    %add3A_229 = arith.addi %iota3A, %add3A_228 : vector<16xi32>
    tpu.vector_store_idx %arg5[%broadcast_in_dim3A_181, %add3A_229], %gather3A_226 : memref<8x128xf32, #tpu.memory_space<vmem>>[vector<16xi32>, vector<16xi32>], vector<16xf32>,
    %add3A_230 = arith.constant 64 : i32
    %add3A_231 = vector.broadcast %add3A_230 : i32 to vector<16xi32>
    %add3A_232 = arith.addi %iota3A, %add3A_231 : vector<16xi32>
    %gather3A_233 = arith.constant 1 : i32
    %gather3A_234 = arith.constant 0 : i32
    %gather3A_235 = arith.constant 0 : i32
    %gather3A_236 = tpu.memref_slice %arg4[%gather3A_233, %gather3A_234, %gather3A_235] : memref<2x128x128xf32, #tpu.memory_space<vmem>> -> memref<1x128x128xf32, #tpu.memory_space<vmem>>
    %gather3A_237 = tpu.memref_squeeze %gather3A_236 : memref<1x128x128xf32, #tpu.memory_space<vmem>> -> memref<128x128xf32, #tpu.memory_space<vmem>>
    %gather3A_238 = tpu.vector_load_idx %gather3A_237[%add3A_232, %broadcast_in_dim3A_44] : memref<128x128xf32, #tpu.memory_space<vmem>>[vector<16xi32>, vector<16xi32>], vector<16xf32>,
    %add3A_239 = arith.constant 64 : i32
    %add3A_240 = vector.broadcast %add3A_239 : i32 to vector<16xi32>
    %add3A_241 = arith.addi %iota3A, %add3A_240 : vector<16xi32>
    tpu.vector_store_idx %arg5[%broadcast_in_dim3A_181, %add3A_241], %gather3A_238 : memref<8x128xf32, #tpu.memory_space<vmem>>[vector<16xi32>, vector<16xi32>], vector<16xf32>,
    %add3A_242 = arith.constant 80 : i32
    %add3A_243 = vector.broadcast %add3A_242 : i32 to vector<16xi32>
    %add3A_244 = arith.addi %iota3A, %add3A_243 : vector<16xi32>
    %gather3A_245 = arith.constant 1 : i32
    %gather3A_246 = arith.constant 0 : i32
    %gather3A_247 = arith.constant 0 : i32
    %gather3A_248 = tpu.memref_slice %arg4[%gather3A_245, %gather3A_246, %gather3A_247] : memref<2x128x128xf32, #tpu.memory_space<vmem>> -> memref<1x128x128xf32, #tpu.memory_space<vmem>>
    %gather3A_249 = tpu.memref_squeeze %gather3A_248 : memref<1x128x128xf32, #tpu.memory_space<vmem>> -> memref<128x128xf32, #tpu.memory_space<vmem>>
    %gather3A_250 = tpu.vector_load_idx %gather3A_249[%add3A_244, %broadcast_in_dim3A_44] : memref<128x128xf32, #tpu.memory_space<vmem>>[vector<16xi32>, vector<16xi32>], vector<16xf32>,
    %add3A_251 = arith.constant 80 : i32
    %add3A_252 = vector.broadcast %add3A_251 : i32 to vector<16xi32>
    %add3A_253 = arith.addi %iota3A, %add3A_252 : vector<16xi32>
    tpu.vector_store_idx %arg5[%broadcast_in_dim3A_181, %add3A_253], %gather3A_250 : memref<8x128xf32, #tpu.memory_space<vmem>>[vector<16xi32>, vector<16xi32>], vector<16xf32>,
    %add3A_254 = arith.constant 96 : i32
    %add3A_255 = vector.broadcast %add3A_254 : i32 to vector<16xi32>
    %add3A_256 = arith.addi %iota3A, %add3A_255 : vector<16xi32>
    %gather3A_257 = arith.constant 1 : i32
    %gather3A_258 = arith.constant 0 : i32
    %gather3A_259 = arith.constant 0 : i32
    %gather3A_260 = tpu.memref_slice %arg4[%gather3A_257, %gather3A_258, %gather3A_259] : memref<2x128x128xf32, #tpu.memory_space<vmem>> -> memref<1x128x128xf32, #tpu.memory_space<vmem>>
    %gather3A_261 = tpu.memref_squeeze %gather3A_260 : memref<1x128x128xf32, #tpu.memory_space<vmem>> -> memref<128x128xf32, #tpu.memory_space<vmem>>
    %gather3A_262 = tpu.vector_load_idx %gather3A_261[%add3A_256, %broadcast_in_dim3A_44] : memref<128x128xf32, #tpu.memory_space<vmem>>[vector<16xi32>, vector<16xi32>], vector<16xf32>,
    %add3A_263 = arith.constant 96 : i32
    %add3A_264 = vector.broadcast %add3A_263 : i32 to vector<16xi32>
    %add3A_265 = arith.addi %iota3A, %add3A_264 : vector<16xi32>
    tpu.vector_store_idx %arg5[%broadcast_in_dim3A_181, %add3A_265], %gather3A_262 : memref<8x128xf32, #tpu.memory_space<vmem>>[vector<16xi32>, vector<16xi32>], vector<16xf32>,
    %add3A_266 = arith.constant 112 : i32
    %add3A_267 = vector.broadcast %add3A_266 : i32 to vector<16xi32>
    %add3A_268 = arith.addi %iota3A, %add3A_267 : vector<16xi32>
    %gather3A_269 = arith.constant 1 : i32
    %gather3A_270 = arith.constant 0 : i32
    %gather3A_271 = arith.constant 0 : i32
    %gather3A_272 = tpu.memref_slice %arg4[%gather3A_269, %gather3A_270, %gather3A_271] : memref<2x128x128xf32, #tpu.memory_space<vmem>> -> memref<1x128x128xf32, #tpu.memory_space<vmem>>
    %gather3A_273 = tpu.memref_squeeze %gather3A_272 : memref<1x128x128xf32, #tpu.memory_space<vmem>> -> memref<128x128xf32, #tpu.memory_space<vmem>>
    %gather3A_274 = tpu.vector_load_idx %gather3A_273[%add3A_268, %broadcast_in_dim3A_44] : memref<128x128xf32, #tpu.memory_space<vmem>>[vector<16xi32>, vector<16xi32>], vector<16xf32>,
    %add3A_275 = arith.constant 112 : i32
    %add3A_276 = vector.broadcast %add3A_275 : i32 to vector<16xi32>
    %add3A_277 = arith.addi %iota3A, %add3A_276 : vector<16xi32>
    tpu.vector_store_idx %arg5[%broadcast_in_dim3A_181, %add3A_277], %gather3A_274 : memref<8x128xf32, #tpu.memory_space<vmem>>[vector<16xi32>, vector<16xi32>], vector<16xf32>,
    %dma_start3A_278 = arith.constant 1 : i32
    %dma_start3A_279 = arith.constant 0 : i32
    %dma_start3A_280 = arith.constant 0 : i32
    %dma_start3A_281 = tpu.memref_slice %arg4[%dma_start3A_278, %dma_start3A_279, %dma_start3A_280] : memref<2x128x128xf32, #tpu.memory_space<vmem>> -> memref<1x128x128xf32, #tpu.memory_space<vmem>>
    %dma_start3A_282 = tpu.memref_squeeze %dma_start3A_281 : memref<1x128x128xf32, #tpu.memory_space<vmem>> -> memref<128x128xf32, #tpu.memory_space<vmem>>
    %dma_start3A_283 = arith.constant 0 : i32
    %dma_start3A_284 = tpu.memref_slice %arg2[%add3A_10, %dma_start3A_283] : memref<32768x4096xf32, #tpu.memory_space<hbm>> -> memref<128x128xf32, #tpu.memory_space<hbm>>
    %dma_start3A_285 = arith.constant 0 : i32
    %dma_start3A_286 = arith.constant 0 : i32
    %dma_start3A_287 = tpu.memref_slice %arg4[%dma_start3A_278, %dma_start3A_285, %dma_start3A_286] : memref<2x128x128xf32, #tpu.memory_space<vmem>> -> memref<1x128x128xf32, #tpu.memory_space<vmem>>
    %dma_start3A_288 = tpu.memref_squeeze %dma_start3A_287 : memref<1x128x128xf32, #tpu.memory_space<vmem>> -> memref<128x128xf32, #tpu.memory_space<vmem>>
    %dma_start3A_289 = arith.constant 0 : i32
    %dma_start3A_290 = tpu.memref_slice %arg2[%add3A_10, %dma_start3A_289] : memref<32768x4096xf32, #tpu.memory_space<hbm>> -> memref<128x128xf32, #tpu.memory_space<hbm>>
    tpu.enqueue_dma source(%dma_start3A_290 : memref<128x128xf32, #tpu.memory_space<hbm>>) target(%dma_start3A_288 : memref<128x128xf32, #tpu.memory_space<vmem>>) target_semaphore(%arg7 : memref<!tpu.dma_semaphore, #tpu.memory_space<semaphore_mem>>)
    %dma_wait3A_291 = arith.constant 0 : i32
    %dma_wait3A_292 = arith.constant 0 : i32
    %dma_wait3A_293 = arith.constant 0 : i32
    %dma_wait3A_294 = tpu.memref_slice %arg4[%dma_wait3A_291, %dma_wait3A_292, %dma_wait3A_293] : memref<2x128x128xf32, #tpu.memory_space<vmem>> -> memref<1x128x128xf32, #tpu.memory_space<vmem>>
    %dma_wait3A_295 = tpu.memref_squeeze %dma_wait3A_294 : memref<1x128x128xf32, #tpu.memory_space<vmem>> -> memref<128x128xf32, #tpu.memory_space<vmem>>
    %dma_wait3A_296 = arith.constant 0 : i32
    %dma_wait3A_297 = tpu.memref_slice %arg2[%add3A_8, %dma_wait3A_296] : memref<32768x4096xf32, #tpu.memory_space<hbm>> -> memref<128x128xf32, #tpu.memory_space<hbm>>
    %dma_wait3A_298 = arith.constant 0 : i32
    %dma_wait3A_299 = arith.constant 0 : i32
    %dma_wait3A_300 = tpu.memref_slice %arg4[%dma_wait3A_291, %dma_wait3A_298, %dma_wait3A_299] : memref<2x128x128xf32, #tpu.memory_space<vmem>> -> memref<1x128x128xf32, #tpu.memory_space<vmem>>
    %dma_wait3A_301 = tpu.memref_squeeze %dma_wait3A_300 : memref<1x128x128xf32, #tpu.memory_space<vmem>> -> memref<128x128xf32, #tpu.memory_space<vmem>>
    %dma_wait3A_302 = arith.constant 0 : i32
    %dma_wait3A_303 = tpu.memref_slice %arg2[%add3A_8, %dma_wait3A_302] : memref<32768x4096xf32, #tpu.memory_space<hbm>> -> memref<128x128xf32, #tpu.memory_space<hbm>>
    tpu.wait_dma2 semaphore(%arg6 : memref<!tpu.dma_semaphore, #tpu.memory_space<semaphore_mem>>) src(%dma_wait3A_303 : memref<128x128xf32, #tpu.memory_space<hbm>>) dst(%dma_wait3A_301 : memref<128x128xf32, #tpu.memory_space<vmem>>)
    %broadcast_in_dim3A_304 = arith.constant 2 : i32
    %broadcast_in_dim3A_305 = vector.broadcast %broadcast_in_dim3A_304 : i32 to vector<16xi32>
    %add3A_306 = arith.constant 0 : i32
    %add3A_307 = vector.broadcast %add3A_306 : i32 to vector<16xi32>
    %add3A_308 = arith.addi %iota3A, %add3A_307 : vector<16xi32>
    %gather3A_309 = arith.constant 0 : i32
    %gather3A_310 = arith.constant 0 : i32
    %gather3A_311 = arith.constant 0 : i32
    %gather3A_312 = tpu.memref_slice %arg4[%gather3A_309, %gather3A_310, %gather3A_311] : memref<2x128x128xf32, #tpu.memory_space<vmem>> -> memref<1x128x128xf32, #tpu.memory_space<vmem>>
    %gather3A_313 = tpu.memref_squeeze %gather3A_312 : memref<1x128x128xf32, #tpu.memory_space<vmem>> -> memref<128x128xf32, #tpu.memory_space<vmem>>
    %gather3A_314 = tpu.vector_load_idx %gather3A_313[%add3A_308, %broadcast_in_dim3A_44] : memref<128x128xf32, #tpu.memory_space<vmem>>[vector<16xi32>, vector<16xi32>], vector<16xf32>,
    %add3A_315 = arith.constant 0 : i32
    %add3A_316 = vector.broadcast %add3A_315 : i32 to vector<16xi32>
    %add3A_317 = arith.addi %iota3A, %add3A_316 : vector<16xi32>
    tpu.vector_store_idx %arg5[%broadcast_in_dim3A_305, %add3A_317], %gather3A_314 : memref<8x128xf32, #tpu.memory_space<vmem>>[vector<16xi32>, vector<16xi32>], vector<16xf32>,
    %add3A_318 = arith.constant 16 : i32
    %add3A_319 = vector.broadcast %add3A_318 : i32 to vector<16xi32>
    %add3A_320 = arith.addi %iota3A, %add3A_319 : vector<16xi32>
    %gather3A_321 = arith.constant 0 : i32
    %gather3A_322 = arith.constant 0 : i32
    %gather3A_323 = arith.constant 0 : i32
    %gather3A_324 = tpu.memref_slice %arg4[%gather3A_321, %gather3A_322, %gather3A_323] : memref<2x128x128xf32, #tpu.memory_space<vmem>> -> memref<1x128x128xf32, #tpu.memory_space<vmem>>
    %gather3A_325 = tpu.memref_squeeze %gather3A_324 : memref<1x128x128xf32, #tpu.memory_space<vmem>> -> memref<128x128xf32, #tpu.memory_space<vmem>>
    %gather3A_326 = tpu.vector_load_idx %gather3A_325[%add3A_320, %broadcast_in_dim3A_44] : memref<128x128xf32, #tpu.memory_space<vmem>>[vector<16xi32>, vector<16xi32>], vector<16xf32>,
    %add3A_327 = arith.constant 16 : i32
    %add3A_328 = vector.broadcast %add3A_327 : i32 to vector<16xi32>
    %add3A_329 = arith.addi %iota3A, %add3A_328 : vector<16xi32>
    tpu.vector_store_idx %arg5[%broadcast_in_dim3A_305, %add3A_329], %gather3A_326 : memref<8x128xf32, #tpu.memory_space<vmem>>[vector<16xi32>, vector<16xi32>], vector<16xf32>,
    %add3A_330 = arith.constant 32 : i32
    %add3A_331 = vector.broadcast %add3A_330 : i32 to vector<16xi32>
    %add3A_332 = arith.addi %iota3A, %add3A_331 : vector<16xi32>
    %gather3A_333 = arith.constant 0 : i32
    %gather3A_334 = arith.constant 0 : i32
    %gather3A_335 = arith.constant 0 : i32
    %gather3A_336 = tpu.memref_slice %arg4[%gather3A_333, %gather3A_334, %gather3A_335] : memref<2x128x128xf32, #tpu.memory_space<vmem>> -> memref<1x128x128xf32, #tpu.memory_space<vmem>>
    %gather3A_337 = tpu.memref_squeeze %gather3A_336 : memref<1x128x128xf32, #tpu.memory_space<vmem>> -> memref<128x128xf32, #tpu.memory_space<vmem>>
    %gather3A_338 = tpu.vector_load_idx %gather3A_337[%add3A_332, %broadcast_in_dim3A_44] : memref<128x128xf32, #tpu.memory_space<vmem>>[vector<16xi32>, vector<16xi32>], vector<16xf32>,
    %add3A_339 = arith.constant 32 : i32
    %add3A_340 = vector.broadcast %add3A_339 : i32 to vector<16xi32>
    %add3A_341 = arith.addi %iota3A, %add3A_340 : vector<16xi32>
    tpu.vector_store_idx %arg5[%broadcast_in_dim3A_305, %add3A_341], %gather3A_338 : memref<8x128xf32, #tpu.memory_space<vmem>>[vector<16xi32>, vector<16xi32>], vector<16xf32>,
    %add3A_342 = arith.constant 48 : i32
    %add3A_343 = vector.broadcast %add3A_342 : i32 to vector<16xi32>
    %add3A_344 = arith.addi %iota3A, %add3A_343 : vector<16xi32>
    %gather3A_345 = arith.constant 0 : i32
    %gather3A_346 = arith.constant 0 : i32
    %gather3A_347 = arith.constant 0 : i32
    %gather3A_348 = tpu.memref_slice %arg4[%gather3A_345, %gather3A_346, %gather3A_347] : memref<2x128x128xf32, #tpu.memory_space<vmem>> -> memref<1x128x128xf32, #tpu.memory_space<vmem>>
    %gather3A_349 = tpu.memref_squeeze %gather3A_348 : memref<1x128x128xf32, #tpu.memory_space<vmem>> -> memref<128x128xf32, #tpu.memory_space<vmem>>
    %gather3A_350 = tpu.vector_load_idx %gather3A_349[%add3A_344, %broadcast_in_dim3A_44] : memref<128x128xf32, #tpu.memory_space<vmem>>[vector<16xi32>, vector<16xi32>], vector<16xf32>,
    %add3A_351 = arith.constant 48 : i32
    %add3A_352 = vector.broadcast %add3A_351 : i32 to vector<16xi32>
    %add3A_353 = arith.addi %iota3A, %add3A_352 : vector<16xi32>
    tpu.vector_store_idx %arg5[%broadcast_in_dim3A_305, %add3A_353], %gather3A_350 : memref<8x128xf32, #tpu.memory_space<vmem>>[vector<16xi32>, vector<16xi32>], vector<16xf32>,
    %add3A_354 = arith.constant 64 : i32
    %add3A_355 = vector.broadcast %add3A_354 : i32 to vector<16xi32>
    %add3A_356 = arith.addi %iota3A, %add3A_355 : vector<16xi32>
    %gather3A_357 = arith.constant 0 : i32
    %gather3A_358 = arith.constant 0 : i32
    %gather3A_359 = arith.constant 0 : i32
    %gather3A_360 = tpu.memref_slice %arg4[%gather3A_357, %gather3A_358, %gather3A_359] : memref<2x128x128xf32, #tpu.memory_space<vmem>> -> memref<1x128x128xf32, #tpu.memory_space<vmem>>
    %gather3A_361 = tpu.memref_squeeze %gather3A_360 : memref<1x128x128xf32, #tpu.memory_space<vmem>> -> memref<128x128xf32, #tpu.memory_space<vmem>>
    %gather3A_362 = tpu.vector_load_idx %gather3A_361[%add3A_356, %broadcast_in_dim3A_44] : memref<128x128xf32, #tpu.memory_space<vmem>>[vector<16xi32>, vector<16xi32>], vector<16xf32>,
    %add3A_363 = arith.constant 64 : i32
    %add3A_364 = vector.broadcast %add3A_363 : i32 to vector<16xi32>
    %add3A_365 = arith.addi %iota3A, %add3A_364 : vector<16xi32>
    tpu.vector_store_idx %arg5[%broadcast_in_dim3A_305, %add3A_365], %gather3A_362 : memref<8x128xf32, #tpu.memory_space<vmem>>[vector<16xi32>, vector<16xi32>], vector<16xf32>,
    %add3A_366 = arith.constant 80 : i32
    %add3A_367 = vector.broadcast %add3A_366 : i32 to vector<16xi32>
    %add3A_368 = arith.addi %iota3A, %add3A_367 : vector<16xi32>
    %gather3A_369 = arith.constant 0 : i32
    %gather3A_370 = arith.constant 0 : i32
    %gather3A_371 = arith.constant 0 : i32
    %gather3A_372 = tpu.memref_slice %arg4[%gather3A_369, %gather3A_370, %gather3A_371] : memref<2x128x128xf32, #tpu.memory_space<vmem>> -> memref<1x128x128xf32, #tpu.memory_space<vmem>>
    %gather3A_373 = tpu.memref_squeeze %gather3A_372 : memref<1x128x128xf32, #tpu.memory_space<vmem>> -> memref<128x128xf32, #tpu.memory_space<vmem>>
    %gather3A_374 = tpu.vector_load_idx %gather3A_373[%add3A_368, %broadcast_in_dim3A_44] : memref<128x128xf32, #tpu.memory_space<vmem>>[vector<16xi32>, vector<16xi32>], vector<16xf32>,
    %add3A_375 = arith.constant 80 : i32
    %add3A_376 = vector.broadcast %add3A_375 : i32 to vector<16xi32>
    %add3A_377 = arith.addi %iota3A, %add3A_376 : vector<16xi32>
    tpu.vector_store_idx %arg5[%broadcast_in_dim3A_305, %add3A_377], %gather3A_374 : memref<8x128xf32, #tpu.memory_space<vmem>>[vector<16xi32>, vector<16xi32>], vector<16xf32>,
    %add3A_378 = arith.constant 96 : i32
    %add3A_379 = vector.broadcast %add3A_378 : i32 to vector<16xi32>
    %add3A_380 = arith.addi %iota3A, %add3A_379 : vector<16xi32>
    %gather3A_381 = arith.constant 0 : i32
    %gather3A_382 = arith.constant 0 : i32
    %gather3A_383 = arith.constant 0 : i32
    %gather3A_384 = tpu.memref_slice %arg4[%gather3A_381, %gather3A_382, %gather3A_383] : memref<2x128x128xf32, #tpu.memory_space<vmem>> -> memref<1x128x128xf32, #tpu.memory_space<vmem>>
    %gather3A_385 = tpu.memref_squeeze %gather3A_384 : memref<1x128x128xf32, #tpu.memory_space<vmem>> -> memref<128x128xf32, #tpu.memory_space<vmem>>
    %gather3A_386 = tpu.vector_load_idx %gather3A_385[%add3A_380, %broadcast_in_dim3A_44] : memref<128x128xf32, #tpu.memory_space<vmem>>[vector<16xi32>, vector<16xi32>], vector<16xf32>,
    %add3A_387 = arith.constant 96 : i32
    %add3A_388 = vector.broadcast %add3A_387 : i32 to vector<16xi32>
    %add3A_389 = arith.addi %iota3A, %add3A_388 : vector<16xi32>
    tpu.vector_store_idx %arg5[%broadcast_in_dim3A_305, %add3A_389], %gather3A_386 : memref<8x128xf32, #tpu.memory_space<vmem>>[vector<16xi32>, vector<16xi32>], vector<16xf32>,
    %add3A_390 = arith.constant 112 : i32
    %add3A_391 = vector.broadcast %add3A_390 : i32 to vector<16xi32>
    %add3A_392 = arith.addi %iota3A, %add3A_391 : vector<16xi32>
    %gather3A_393 = arith.constant 0 : i32
    %gather3A_394 = arith.constant 0 : i32
    %gather3A_395 = arith.constant 0 : i32
    %gather3A_396 = tpu.memref_slice %arg4[%gather3A_393, %gather3A_394, %gather3A_395] : memref<2x128x128xf32, #tpu.memory_space<vmem>> -> memref<1x128x128xf32, #tpu.memory_space<vmem>>
    %gather3A_397 = tpu.memref_squeeze %gather3A_396 : memref<1x128x128xf32, #tpu.memory_space<vmem>> -> memref<128x128xf32, #tpu.memory_space<vmem>>
    %gather3A_398 = tpu.vector_load_idx %gather3A_397[%add3A_392, %broadcast_in_dim3A_44] : memref<128x128xf32, #tpu.memory_space<vmem>>[vector<16xi32>, vector<16xi32>], vector<16xf32>,
    %add3A_399 = arith.constant 112 : i32
    %add3A_400 = vector.broadcast %add3A_399 : i32 to vector<16xi32>
    %add3A_401 = arith.addi %iota3A, %add3A_400 : vector<16xi32>
    tpu.vector_store_idx %arg5[%broadcast_in_dim3A_305, %add3A_401], %gather3A_398 : memref<8x128xf32, #tpu.memory_space<vmem>>[vector<16xi32>, vector<16xi32>], vector<16xf32>,
    %dma_start3A_402 = arith.constant 0 : i32
    %dma_start3A_403 = arith.constant 0 : i32
    %dma_start3A_404 = arith.constant 0 : i32
    %dma_start3A_405 = tpu.memref_slice %arg4[%dma_start3A_402, %dma_start3A_403, %dma_start3A_404] : memref<2x128x128xf32, #tpu.memory_space<vmem>> -> memref<1x128x128xf32, #tpu.memory_space<vmem>>
    %dma_start3A_406 = tpu.memref_squeeze %dma_start3A_405 : memref<1x128x128xf32, #tpu.memory_space<vmem>> -> memref<128x128xf32, #tpu.memory_space<vmem>>
    %dma_start3A_407 = arith.constant 0 : i32
    %dma_start3A_408 = tpu.memref_slice %arg2[%add3A_12, %dma_start3A_407] : memref<32768x4096xf32, #tpu.memory_space<hbm>> -> memref<128x128xf32, #tpu.memory_space<hbm>>
    %dma_start3A_409 = arith.constant 0 : i32
    %dma_start3A_410 = arith.constant 0 : i32
    %dma_start3A_411 = tpu.memref_slice %arg4[%dma_start3A_402, %dma_start3A_409, %dma_start3A_410] : memref<2x128x128xf32, #tpu.memory_space<vmem>> -> memref<1x128x128xf32, #tpu.memory_space<vmem>>
    %dma_start3A_412 = tpu.memref_squeeze %dma_start3A_411 : memref<1x128x128xf32, #tpu.memory_space<vmem>> -> memref<128x128xf32, #tpu.memory_space<vmem>>
    %dma_start3A_413 = arith.constant 0 : i32
    %dma_start3A_414 = tpu.memref_slice %arg2[%add3A_12, %dma_start3A_413] : memref<32768x4096xf32, #tpu.memory_space<hbm>> -> memref<128x128xf32, #tpu.memory_space<hbm>>
    tpu.enqueue_dma source(%dma_start3A_414 : memref<128x128xf32, #tpu.memory_space<hbm>>) target(%dma_start3A_412 : memref<128x128xf32, #tpu.memory_space<vmem>>) target_semaphore(%arg6 : memref<!tpu.dma_semaphore, #tpu.memory_space<semaphore_mem>>)
    %dma_wait3A_415 = arith.constant 1 : i32
    %dma_wait3A_416 = arith.constant 0 : i32
    %dma_wait3A_417 = arith.constant 0 : i32
    %dma_wait3A_418 = tpu.memref_slice %arg4[%dma_wait3A_415, %dma_wait3A_416, %dma_wait3A_417] : memref<2x128x128xf32, #tpu.memory_space<vmem>> -> memref<1x128x128xf32, #tpu.memory_space<vmem>>
    %dma_wait3A_419 = tpu.memref_squeeze %dma_wait3A_418 : memref<1x128x128xf32, #tpu.memory_space<vmem>> -> memref<128x128xf32, #tpu.memory_space<vmem>>
    %dma_wait3A_420 = arith.constant 0 : i32
    %dma_wait3A_421 = tpu.memref_slice %arg2[%add3A_10, %dma_wait3A_420] : memref<32768x4096xf32, #tpu.memory_space<hbm>> -> memref<128x128xf32, #tpu.memory_space<hbm>>
    %dma_wait3A_422 = arith.constant 0 : i32
    %dma_wait3A_423 = arith.constant 0 : i32
    %dma_wait3A_424 = tpu.memref_slice %arg4[%dma_wait3A_415, %dma_wait3A_422, %dma_wait3A_423] : memref<2x128x128xf32, #tpu.memory_space<vmem>> -> memref<1x128x128xf32, #tpu.memory_space<vmem>>
    %dma_wait3A_425 = tpu.memref_squeeze %dma_wait3A_424 : memref<1x128x128xf32, #tpu.memory_space<vmem>> -> memref<128x128xf32, #tpu.memory_space<vmem>>
    %dma_wait3A_426 = arith.constant 0 : i32
    %dma_wait3A_427 = tpu.memref_slice %arg2[%add3A_10, %dma_wait3A_426] : memref<32768x4096xf32, #tpu.memory_space<hbm>> -> memref<128x128xf32, #tpu.memory_space<hbm>>
    tpu.wait_dma2 semaphore(%arg7 : memref<!tpu.dma_semaphore, #tpu.memory_space<semaphore_mem>>) src(%dma_wait3A_427 : memref<128x128xf32, #tpu.memory_space<hbm>>) dst(%dma_wait3A_425 : memref<128x128xf32, #tpu.memory_space<vmem>>)
    %broadcast_in_dim3A_428 = arith.constant 3 : i32
    %broadcast_in_dim3A_429 = vector.broadcast %broadcast_in_dim3A_428 : i32 to vector<16xi32>
    %add3A_430 = arith.constant 0 : i32
    %add3A_431 = vector.broadcast %add3A_430 : i32 to vector<16xi32>
    %add3A_432 = arith.addi %iota3A, %add3A_431 : vector<16xi32>
    %gather3A_433 = arith.constant 1 : i32
    %gather3A_434 = arith.constant 0 : i32
    %gather3A_435 = arith.constant 0 : i32
    %gather3A_436 = tpu.memref_slice %arg4[%gather3A_433, %gather3A_434, %gather3A_435] : memref<2x128x128xf32, #tpu.memory_space<vmem>> -> memref<1x128x128xf32, #tpu.memory_space<vmem>>
    %gather3A_437 = tpu.memref_squeeze %gather3A_436 : memref<1x128x128xf32, #tpu.memory_space<vmem>> -> memref<128x128xf32, #tpu.memory_space<vmem>>
    %gather3A_438 = tpu.vector_load_idx %gather3A_437[%add3A_432, %broadcast_in_dim3A_44] : memref<128x128xf32, #tpu.memory_space<vmem>>[vector<16xi32>, vector<16xi32>], vector<16xf32>,
    %add3A_439 = arith.constant 0 : i32
    %add3A_440 = vector.broadcast %add3A_439 : i32 to vector<16xi32>
    %add3A_441 = arith.addi %iota3A, %add3A_440 : vector<16xi32>
    tpu.vector_store_idx %arg5[%broadcast_in_dim3A_429, %add3A_441], %gather3A_438 : memref<8x128xf32, #tpu.memory_space<vmem>>[vector<16xi32>, vector<16xi32>], vector<16xf32>,
    %add3A_442 = arith.constant 16 : i32
    %add3A_443 = vector.broadcast %add3A_442 : i32 to vector<16xi32>
    %add3A_444 = arith.addi %iota3A, %add3A_443 : vector<16xi32>
    %gather3A_445 = arith.constant 1 : i32
    %gather3A_446 = arith.constant 0 : i32
    %gather3A_447 = arith.constant 0 : i32
    %gather3A_448 = tpu.memref_slice %arg4[%gather3A_445, %gather3A_446, %gather3A_447] : memref<2x128x128xf32, #tpu.memory_space<vmem>> -> memref<1x128x128xf32, #tpu.memory_space<vmem>>
    %gather3A_449 = tpu.memref_squeeze %gather3A_448 : memref<1x128x128xf32, #tpu.memory_space<vmem>> -> memref<128x128xf32, #tpu.memory_space<vmem>>
    %gather3A_450 = tpu.vector_load_idx %gather3A_449[%add3A_444, %broadcast_in_dim3A_44] : memref<128x128xf32, #tpu.memory_space<vmem>>[vector<16xi32>, vector<16xi32>], vector<16xf32>,
    %add3A_451 = arith.constant 16 : i32
    %add3A_452 = vector.broadcast %add3A_451 : i32 to vector<16xi32>
    %add3A_453 = arith.addi %iota3A, %add3A_452 : vector<16xi32>
    tpu.vector_store_idx %arg5[%broadcast_in_dim3A_429, %add3A_453], %gather3A_450 : memref<8x128xf32, #tpu.memory_space<vmem>>[vector<16xi32>, vector<16xi32>], vector<16xf32>,
    %add3A_454 = arith.constant 32 : i32
    %add3A_455 = vector.broadcast %add3A_454 : i32 to vector<16xi32>
    %add3A_456 = arith.addi %iota3A, %add3A_455 : vector<16xi32>
    %gather3A_457 = arith.constant 1 : i32
    %gather3A_458 = arith.constant 0 : i32
    %gather3A_459 = arith.constant 0 : i32
    %gather3A_460 = tpu.memref_slice %arg4[%gather3A_457, %gather3A_458, %gather3A_459] : memref<2x128x128xf32, #tpu.memory_space<vmem>> -> memref<1x128x128xf32, #tpu.memory_space<vmem>>
    %gather3A_461 = tpu.memref_squeeze %gather3A_460 : memref<1x128x128xf32, #tpu.memory_space<vmem>> -> memref<128x128xf32, #tpu.memory_space<vmem>>
    %gather3A_462 = tpu.vector_load_idx %gather3A_461[%add3A_456, %broadcast_in_dim3A_44] : memref<128x128xf32, #tpu.memory_space<vmem>>[vector<16xi32>, vector<16xi32>], vector<16xf32>,
    %add3A_463 = arith.constant 32 : i32
    %add3A_464 = vector.broadcast %add3A_463 : i32 to vector<16xi32>
    %add3A_465 = arith.addi %iota3A, %add3A_464 : vector<16xi32>
    tpu.vector_store_idx %arg5[%broadcast_in_dim3A_429, %add3A_465], %gather3A_462 : memref<8x128xf32, #tpu.memory_space<vmem>>[vector<16xi32>, vector<16xi32>], vector<16xf32>,
    %add3A_466 = arith.constant 48 : i32
    %add3A_467 = vector.broadcast %add3A_466 : i32 to vector<16xi32>
    %add3A_468 = arith.addi %iota3A, %add3A_467 : vector<16xi32>
    %gather3A_469 = arith.constant 1 : i32
    %gather3A_470 = arith.constant 0 : i32
    %gather3A_471 = arith.constant 0 : i32
    %gather3A_472 = tpu.memref_slice %arg4[%gather3A_469, %gather3A_470, %gather3A_471] : memref<2x128x128xf32, #tpu.memory_space<vmem>> -> memref<1x128x128xf32, #tpu.memory_space<vmem>>
    %gather3A_473 = tpu.memref_squeeze %gather3A_472 : memref<1x128x128xf32, #tpu.memory_space<vmem>> -> memref<128x128xf32, #tpu.memory_space<vmem>>
    %gather3A_474 = tpu.vector_load_idx %gather3A_473[%add3A_468, %broadcast_in_dim3A_44] : memref<128x128xf32, #tpu.memory_space<vmem>>[vector<16xi32>, vector<16xi32>], vector<16xf32>,
    %add3A_475 = arith.constant 48 : i32
    %add3A_476 = vector.broadcast %add3A_475 : i32 to vector<16xi32>
    %add3A_477 = arith.addi %iota3A, %add3A_476 : vector<16xi32>
    tpu.vector_store_idx %arg5[%broadcast_in_dim3A_429, %add3A_477], %gather3A_474 : memref<8x128xf32, #tpu.memory_space<vmem>>[vector<16xi32>, vector<16xi32>], vector<16xf32>,
    %add3A_478 = arith.constant 64 : i32
    %add3A_479 = vector.broadcast %add3A_478 : i32 to vector<16xi32>
    %add3A_480 = arith.addi %iota3A, %add3A_479 : vector<16xi32>
    %gather3A_481 = arith.constant 1 : i32
    %gather3A_482 = arith.constant 0 : i32
    %gather3A_483 = arith.constant 0 : i32
    %gather3A_484 = tpu.memref_slice %arg4[%gather3A_481, %gather3A_482, %gather3A_483] : memref<2x128x128xf32, #tpu.memory_space<vmem>> -> memref<1x128x128xf32, #tpu.memory_space<vmem>>
    %gather3A_485 = tpu.memref_squeeze %gather3A_484 : memref<1x128x128xf32, #tpu.memory_space<vmem>> -> memref<128x128xf32, #tpu.memory_space<vmem>>
    %gather3A_486 = tpu.vector_load_idx %gather3A_485[%add3A_480, %broadcast_in_dim3A_44] : memref<128x128xf32, #tpu.memory_space<vmem>>[vector<16xi32>, vector<16xi32>], vector<16xf32>,
    %add3A_487 = arith.constant 64 : i32
    %add3A_488 = vector.broadcast %add3A_487 : i32 to vector<16xi32>
    %add3A_489 = arith.addi %iota3A, %add3A_488 : vector<16xi32>
    tpu.vector_store_idx %arg5[%broadcast_in_dim3A_429, %add3A_489], %gather3A_486 : memref<8x128xf32, #tpu.memory_space<vmem>>[vector<16xi32>, vector<16xi32>], vector<16xf32>,
    %add3A_490 = arith.constant 80 : i32
    %add3A_491 = vector.broadcast %add3A_490 : i32 to vector<16xi32>
    %add3A_492 = arith.addi %iota3A, %add3A_491 : vector<16xi32>
    %gather3A_493 = arith.constant 1 : i32
    %gather3A_494 = arith.constant 0 : i32
    %gather3A_495 = arith.constant 0 : i32
    %gather3A_496 = tpu.memref_slice %arg4[%gather3A_493, %gather3A_494, %gather3A_495] : memref<2x128x128xf32, #tpu.memory_space<vmem>> -> memref<1x128x128xf32, #tpu.memory_space<vmem>>
    %gather3A_497 = tpu.memref_squeeze %gather3A_496 : memref<1x128x128xf32, #tpu.memory_space<vmem>> -> memref<128x128xf32, #tpu.memory_space<vmem>>
    %gather3A_498 = tpu.vector_load_idx %gather3A_497[%add3A_492, %broadcast_in_dim3A_44] : memref<128x128xf32, #tpu.memory_space<vmem>>[vector<16xi32>, vector<16xi32>], vector<16xf32>,
    %add3A_499 = arith.constant 80 : i32
    %add3A_500 = vector.broadcast %add3A_499 : i32 to vector<16xi32>
    %add3A_501 = arith.addi %iota3A, %add3A_500 : vector<16xi32>
    tpu.vector_store_idx %arg5[%broadcast_in_dim3A_429, %add3A_501], %gather3A_498 : memref<8x128xf32, #tpu.memory_space<vmem>>[vector<16xi32>, vector<16xi32>], vector<16xf32>,
    %add3A_502 = arith.constant 96 : i32
    %add3A_503 = vector.broadcast %add3A_502 : i32 to vector<16xi32>
    %add3A_504 = arith.addi %iota3A, %add3A_503 : vector<16xi32>
    %gather3A_505 = arith.constant 1 : i32
    %gather3A_506 = arith.constant 0 : i32
    %gather3A_507 = arith.constant 0 : i32
    %gather3A_508 = tpu.memref_slice %arg4[%gather3A_505, %gather3A_506, %gather3A_507] : memref<2x128x128xf32, #tpu.memory_space<vmem>> -> memref<1x128x128xf32, #tpu.memory_space<vmem>>
    %gather3A_509 = tpu.memref_squeeze %gather3A_508 : memref<1x128x128xf32, #tpu.memory_space<vmem>> -> memref<128x128xf32, #tpu.memory_space<vmem>>
    %gather3A_510 = tpu.vector_load_idx %gather3A_509[%add3A_504, %broadcast_in_dim3A_44] : memref<128x128xf32, #tpu.memory_space<vmem>>[vector<16xi32>, vector<16xi32>], vector<16xf32>,
    %add3A_511 = arith.constant 96 : i32
    %add3A_512 = vector.broadcast %add3A_511 : i32 to vector<16xi32>
    %add3A_513 = arith.addi %iota3A, %add3A_512 : vector<16xi32>
    tpu.vector_store_idx %arg5[%broadcast_in_dim3A_429, %add3A_513], %gather3A_510 : memref<8x128xf32, #tpu.memory_space<vmem>>[vector<16xi32>, vector<16xi32>], vector<16xf32>,
    %add3A_514 = arith.constant 112 : i32
    %add3A_515 = vector.broadcast %add3A_514 : i32 to vector<16xi32>
    %add3A_516 = arith.addi %iota3A, %add3A_515 : vector<16xi32>
    %gather3A_517 = arith.constant 1 : i32
    %gather3A_518 = arith.constant 0 : i32
    %gather3A_519 = arith.constant 0 : i32
    %gather3A_520 = tpu.memref_slice %arg4[%gather3A_517, %gather3A_518, %gather3A_519] : memref<2x128x128xf32, #tpu.memory_space<vmem>> -> memref<1x128x128xf32, #tpu.memory_space<vmem>>
    %gather3A_521 = tpu.memref_squeeze %gather3A_520 : memref<1x128x128xf32, #tpu.memory_space<vmem>> -> memref<128x128xf32, #tpu.memory_space<vmem>>
    %gather3A_522 = tpu.vector_load_idx %gather3A_521[%add3A_516, %broadcast_in_dim3A_44] : memref<128x128xf32, #tpu.memory_space<vmem>>[vector<16xi32>, vector<16xi32>], vector<16xf32>,
    %add3A_523 = arith.constant 112 : i32
    %add3A_524 = vector.broadcast %add3A_523 : i32 to vector<16xi32>
    %add3A_525 = arith.addi %iota3A, %add3A_524 : vector<16xi32>
    tpu.vector_store_idx %arg5[%broadcast_in_dim3A_429, %add3A_525], %gather3A_522 : memref<8x128xf32, #tpu.memory_space<vmem>>[vector<16xi32>, vector<16xi32>], vector<16xf32>,
    %dma_start3A_526 = arith.constant 1 : i32
    %dma_start3A_527 = arith.constant 0 : i32
    %dma_start3A_528 = arith.constant 0 : i32
    %dma_start3A_529 = tpu.memref_slice %arg4[%dma_start3A_526, %dma_start3A_527, %dma_start3A_528] : memref<2x128x128xf32, #tpu.memory_space<vmem>> -> memref<1x128x128xf32, #tpu.memory_space<vmem>>
    %dma_start3A_530 = tpu.memref_squeeze %dma_start3A_529 : memref<1x128x128xf32, #tpu.memory_space<vmem>> -> memref<128x128xf32, #tpu.memory_space<vmem>>
    %dma_start3A_531 = arith.constant 0 : i32
    %dma_start3A_532 = tpu.memref_slice %arg2[%add3A_14, %dma_start3A_531] : memref<32768x4096xf32, #tpu.memory_space<hbm>> -> memref<128x128xf32, #tpu.memory_space<hbm>>
    %dma_start3A_533 = arith.constant 0 : i32
    %dma_start3A_534 = arith.constant 0 : i32
    %dma_start3A_535 = tpu.memref_slice %arg4[%dma_start3A_526, %dma_start3A_533, %dma_start3A_534] : memref<2x128x128xf32, #tpu.memory_space<vmem>> -> memref<1x128x128xf32, #tpu.memory_space<vmem>>
    %dma_start3A_536 = tpu.memref_squeeze %dma_start3A_535 : memref<1x128x128xf32, #tpu.memory_space<vmem>> -> memref<128x128xf32, #tpu.memory_space<vmem>>
    %dma_start3A_537 = arith.constant 0 : i32
    %dma_start3A_538 = tpu.memref_slice %arg2[%add3A_14, %dma_start3A_537] : memref<32768x4096xf32, #tpu.memory_space<hbm>> -> memref<128x128xf32, #tpu.memory_space<hbm>>
    tpu.enqueue_dma source(%dma_start3A_538 : memref<128x128xf32, #tpu.memory_space<hbm>>) target(%dma_start3A_536 : memref<128x128xf32, #tpu.memory_space<vmem>>) target_semaphore(%arg7 : memref<!tpu.dma_semaphore, #tpu.memory_space<semaphore_mem>>)
    %dma_wait3A_539 = arith.constant 0 : i32
    %dma_wait3A_540 = arith.constant 0 : i32
    %dma_wait3A_541 = arith.constant 0 : i32
    %dma_wait3A_542 = tpu.memref_slice %arg4[%dma_wait3A_539, %dma_wait3A_540, %dma_wait3A_541] : memref<2x128x128xf32, #tpu.memory_space<vmem>> -> memref<1x128x128xf32, #tpu.memory_space<vmem>>
    %dma_wait3A_543 = tpu.memref_squeeze %dma_wait3A_542 : memref<1x128x128xf32, #tpu.memory_space<vmem>> -> memref<128x128xf32, #tpu.memory_space<vmem>>
    %dma_wait3A_544 = arith.constant 0 : i32
    %dma_wait3A_545 = tpu.memref_slice %arg2[%add3A_12, %dma_wait3A_544] : memref<32768x4096xf32, #tpu.memory_space<hbm>> -> memref<128x128xf32, #tpu.memory_space<hbm>>
    %dma_wait3A_546 = arith.constant 0 : i32
    %dma_wait3A_547 = arith.constant 0 : i32
    %dma_wait3A_548 = tpu.memref_slice %arg4[%dma_wait3A_539, %dma_wait3A_546, %dma_wait3A_547] : memref<2x128x128xf32, #tpu.memory_space<vmem>> -> memref<1x128x128xf32, #tpu.memory_space<vmem>>
    %dma_wait3A_549 = tpu.memref_squeeze %dma_wait3A_548 : memref<1x128x128xf32, #tpu.memory_space<vmem>> -> memref<128x128xf32, #tpu.memory_space<vmem>>
    %dma_wait3A_550 = arith.constant 0 : i32
    %dma_wait3A_551 = tpu.memref_slice %arg2[%add3A_12, %dma_wait3A_550] : memref<32768x4096xf32, #tpu.memory_space<hbm>> -> memref<128x128xf32, #tpu.memory_space<hbm>>
    tpu.wait_dma2 semaphore(%arg6 : memref<!tpu.dma_semaphore, #tpu.memory_space<semaphore_mem>>) src(%dma_wait3A_551 : memref<128x128xf32, #tpu.memory_space<hbm>>) dst(%dma_wait3A_549 : memref<128x128xf32, #tpu.memory_space<vmem>>)
    %broadcast_in_dim3A_552 = arith.constant 4 : i32
    %broadcast_in_dim3A_553 = vector.broadcast %broadcast_in_dim3A_552 : i32 to vector<16xi32>
    %add3A_554 = arith.constant 0 : i32
    %add3A_555 = vector.broadcast %add3A_554 : i32 to vector<16xi32>
    %add3A_556 = arith.addi %iota3A, %add3A_555 : vector<16xi32>
    %gather3A_557 = arith.constant 0 : i32
    %gather3A_558 = arith.constant 0 : i32
    %gather3A_559 = arith.constant 0 : i32
    %gather3A_560 = tpu.memref_slice %arg4[%gather3A_557, %gather3A_558, %gather3A_559] : memref<2x128x128xf32, #tpu.memory_space<vmem>> -> memref<1x128x128xf32, #tpu.memory_space<vmem>>
    %gather3A_561 = tpu.memref_squeeze %gather3A_560 : memref<1x128x128xf32, #tpu.memory_space<vmem>> -> memref<128x128xf32, #tpu.memory_space<vmem>>
    %gather3A_562 = tpu.vector_load_idx %gather3A_561[%add3A_556, %broadcast_in_dim3A_44] : memref<128x128xf32, #tpu.memory_space<vmem>>[vector<16xi32>, vector<16xi32>], vector<16xf32>,
    %add3A_563 = arith.constant 0 : i32
    %add3A_564 = vector.broadcast %add3A_563 : i32 to vector<16xi32>
    %add3A_565 = arith.addi %iota3A, %add3A_564 : vector<16xi32>
    tpu.vector_store_idx %arg5[%broadcast_in_dim3A_553, %add3A_565], %gather3A_562 : memref<8x128xf32, #tpu.memory_space<vmem>>[vector<16xi32>, vector<16xi32>], vector<16xf32>,
    %add3A_566 = arith.constant 16 : i32
    %add3A_567 = vector.broadcast %add3A_566 : i32 to vector<16xi32>
    %add3A_568 = arith.addi %iota3A, %add3A_567 : vector<16xi32>
    %gather3A_569 = arith.constant 0 : i32
    %gather3A_570 = arith.constant 0 : i32
    %gather3A_571 = arith.constant 0 : i32
    %gather3A_572 = tpu.memref_slice %arg4[%gather3A_569, %gather3A_570, %gather3A_571] : memref<2x128x128xf32, #tpu.memory_space<vmem>> -> memref<1x128x128xf32, #tpu.memory_space<vmem>>
    %gather3A_573 = tpu.memref_squeeze %gather3A_572 : memref<1x128x128xf32, #tpu.memory_space<vmem>> -> memref<128x128xf32, #tpu.memory_space<vmem>>
    %gather3A_574 = tpu.vector_load_idx %gather3A_573[%add3A_568, %broadcast_in_dim3A_44] : memref<128x128xf32, #tpu.memory_space<vmem>>[vector<16xi32>, vector<16xi32>], vector<16xf32>,
    %add3A_575 = arith.constant 16 : i32
    %add3A_576 = vector.broadcast %add3A_575 : i32 to vector<16xi32>
    %add3A_577 = arith.addi %iota3A, %add3A_576 : vector<16xi32>
    tpu.vector_store_idx %arg5[%broadcast_in_dim3A_553, %add3A_577], %gather3A_574 : memref<8x128xf32, #tpu.memory_space<vmem>>[vector<16xi32>, vector<16xi32>], vector<16xf32>,
    %add3A_578 = arith.constant 32 : i32
    %add3A_579 = vector.broadcast %add3A_578 : i32 to vector<16xi32>
    %add3A_580 = arith.addi %iota3A, %add3A_579 : vector<16xi32>
    %gather3A_581 = arith.constant 0 : i32
    %gather3A_582 = arith.constant 0 : i32
    %gather3A_583 = arith.constant 0 : i32
    %gather3A_584 = tpu.memref_slice %arg4[%gather3A_581, %gather3A_582, %gather3A_583] : memref<2x128x128xf32, #tpu.memory_space<vmem>> -> memref<1x128x128xf32, #tpu.memory_space<vmem>>
    %gather3A_585 = tpu.memref_squeeze %gather3A_584 : memref<1x128x128xf32, #tpu.memory_space<vmem>> -> memref<128x128xf32, #tpu.memory_space<vmem>>
    %gather3A_586 = tpu.vector_load_idx %gather3A_585[%add3A_580, %broadcast_in_dim3A_44] : memref<128x128xf32, #tpu.memory_space<vmem>>[vector<16xi32>, vector<16xi32>], vector<16xf32>,
    %add3A_587 = arith.constant 32 : i32
    %add3A_588 = vector.broadcast %add3A_587 : i32 to vector<16xi32>
    %add3A_589 = arith.addi %iota3A, %add3A_588 : vector<16xi32>
    tpu.vector_store_idx %arg5[%broadcast_in_dim3A_553, %add3A_589], %gather3A_586 : memref<8x128xf32, #tpu.memory_space<vmem>>[vector<16xi32>, vector<16xi32>], vector<16xf32>,
    %add3A_590 = arith.constant 48 : i32
    %add3A_591 = vector.broadcast %add3A_590 : i32 to vector<16xi32>
    %add3A_592 = arith.addi %iota3A, %add3A_591 : vector<16xi32>
    %gather3A_593 = arith.constant 0 : i32
    %gather3A_594 = arith.constant 0 : i32
    %gather3A_595 = arith.constant 0 : i32
    %gather3A_596 = tpu.memref_slice %arg4[%gather3A_593, %gather3A_594, %gather3A_595] : memref<2x128x128xf32, #tpu.memory_space<vmem>> -> memref<1x128x128xf32, #tpu.memory_space<vmem>>
    %gather3A_597 = tpu.memref_squeeze %gather3A_596 : memref<1x128x128xf32, #tpu.memory_space<vmem>> -> memref<128x128xf32, #tpu.memory_space<vmem>>
    %gather3A_598 = tpu.vector_load_idx %gather3A_597[%add3A_592, %broadcast_in_dim3A_44] : memref<128x128xf32, #tpu.memory_space<vmem>>[vector<16xi32>, vector<16xi32>], vector<16xf32>,
    %add3A_599 = arith.constant 48 : i32
    %add3A_600 = vector.broadcast %add3A_599 : i32 to vector<16xi32>
    %add3A_601 = arith.addi %iota3A, %add3A_600 : vector<16xi32>
    tpu.vector_store_idx %arg5[%broadcast_in_dim3A_553, %add3A_601], %gather3A_598 : memref<8x128xf32, #tpu.memory_space<vmem>>[vector<16xi32>, vector<16xi32>], vector<16xf32>,
    %add3A_602 = arith.constant 64 : i32
    %add3A_603 = vector.broadcast %add3A_602 : i32 to vector<16xi32>
    %add3A_604 = arith.addi %iota3A, %add3A_603 : vector<16xi32>
    %gather3A_605 = arith.constant 0 : i32
    %gather3A_606 = arith.constant 0 : i32
    %gather3A_607 = arith.constant 0 : i32
    %gather3A_608 = tpu.memref_slice %arg4[%gather3A_605, %gather3A_606, %gather3A_607] : memref<2x128x128xf32, #tpu.memory_space<vmem>> -> memref<1x128x128xf32, #tpu.memory_space<vmem>>
    %gather3A_609 = tpu.memref_squeeze %gather3A_608 : memref<1x128x128xf32, #tpu.memory_space<vmem>> -> memref<128x128xf32, #tpu.memory_space<vmem>>
    %gather3A_610 = tpu.vector_load_idx %gather3A_609[%add3A_604, %broadcast_in_dim3A_44] : memref<128x128xf32, #tpu.memory_space<vmem>>[vector<16xi32>, vector<16xi32>], vector<16xf32>,
    %add3A_611 = arith.constant 64 : i32
    %add3A_612 = vector.broadcast %add3A_611 : i32 to vector<16xi32>
    %add3A_613 = arith.addi %iota3A, %add3A_612 : vector<16xi32>
    tpu.vector_store_idx %arg5[%broadcast_in_dim3A_553, %add3A_613], %gather3A_610 : memref<8x128xf32, #tpu.memory_space<vmem>>[vector<16xi32>, vector<16xi32>], vector<16xf32>,
    %add3A_614 = arith.constant 80 : i32
    %add3A_615 = vector.broadcast %add3A_614 : i32 to vector<16xi32>
    %add3A_616 = arith.addi %iota3A, %add3A_615 : vector<16xi32>
    %gather3A_617 = arith.constant 0 : i32
    %gather3A_618 = arith.constant 0 : i32
    %gather3A_619 = arith.constant 0 : i32
    %gather3A_620 = tpu.memref_slice %arg4[%gather3A_617, %gather3A_618, %gather3A_619] : memref<2x128x128xf32, #tpu.memory_space<vmem>> -> memref<1x128x128xf32, #tpu.memory_space<vmem>>
    %gather3A_621 = tpu.memref_squeeze %gather3A_620 : memref<1x128x128xf32, #tpu.memory_space<vmem>> -> memref<128x128xf32, #tpu.memory_space<vmem>>
    %gather3A_622 = tpu.vector_load_idx %gather3A_621[%add3A_616, %broadcast_in_dim3A_44] : memref<128x128xf32, #tpu.memory_space<vmem>>[vector<16xi32>, vector<16xi32>], vector<16xf32>,
    %add3A_623 = arith.constant 80 : i32
    %add3A_624 = vector.broadcast %add3A_623 : i32 to vector<16xi32>
    %add3A_625 = arith.addi %iota3A, %add3A_624 : vector<16xi32>
    tpu.vector_store_idx %arg5[%broadcast_in_dim3A_553, %add3A_625], %gather3A_622 : memref<8x128xf32, #tpu.memory_space<vmem>>[vector<16xi32>, vector<16xi32>], vector<16xf32>,
    %add3A_626 = arith.constant 96 : i32
    %add3A_627 = vector.broadcast %add3A_626 : i32 to vector<16xi32>
    %add3A_628 = arith.addi %iota3A, %add3A_627 : vector<16xi32>
    %gather3A_629 = arith.constant 0 : i32
    %gather3A_630 = arith.constant 0 : i32
    %gather3A_631 = arith.constant 0 : i32
    %gather3A_632 = tpu.memref_slice %arg4[%gather3A_629, %gather3A_630, %gather3A_631] : memref<2x128x128xf32, #tpu.memory_space<vmem>> -> memref<1x128x128xf32, #tpu.memory_space<vmem>>
    %gather3A_633 = tpu.memref_squeeze %gather3A_632 : memref<1x128x128xf32, #tpu.memory_space<vmem>> -> memref<128x128xf32, #tpu.memory_space<vmem>>
    %gather3A_634 = tpu.vector_load_idx %gather3A_633[%add3A_628, %broadcast_in_dim3A_44] : memref<128x128xf32, #tpu.memory_space<vmem>>[vector<16xi32>, vector<16xi32>], vector<16xf32>,
    %add3A_635 = arith.constant 96 : i32
    %add3A_636 = vector.broadcast %add3A_635 : i32 to vector<16xi32>
    %add3A_637 = arith.addi %iota3A, %add3A_636 : vector<16xi32>
    tpu.vector_store_idx %arg5[%broadcast_in_dim3A_553, %add3A_637], %gather3A_634 : memref<8x128xf32, #tpu.memory_space<vmem>>[vector<16xi32>, vector<16xi32>], vector<16xf32>,
    %add3A_638 = arith.constant 112 : i32
    %add3A_639 = vector.broadcast %add3A_638 : i32 to vector<16xi32>
    %add3A_640 = arith.addi %iota3A, %add3A_639 : vector<16xi32>
    %gather3A_641 = arith.constant 0 : i32
    %gather3A_642 = arith.constant 0 : i32
    %gather3A_643 = arith.constant 0 : i32
    %gather3A_644 = tpu.memref_slice %arg4[%gather3A_641, %gather3A_642, %gather3A_643] : memref<2x128x128xf32, #tpu.memory_space<vmem>> -> memref<1x128x128xf32, #tpu.memory_space<vmem>>
    %gather3A_645 = tpu.memref_squeeze %gather3A_644 : memref<1x128x128xf32, #tpu.memory_space<vmem>> -> memref<128x128xf32, #tpu.memory_space<vmem>>
    %gather3A_646 = tpu.vector_load_idx %gather3A_645[%add3A_640, %broadcast_in_dim3A_44] : memref<128x128xf32, #tpu.memory_space<vmem>>[vector<16xi32>, vector<16xi32>], vector<16xf32>,
    %add3A_647 = arith.constant 112 : i32
    %add3A_648 = vector.broadcast %add3A_647 : i32 to vector<16xi32>
    %add3A_649 = arith.addi %iota3A, %add3A_648 : vector<16xi32>
    tpu.vector_store_idx %arg5[%broadcast_in_dim3A_553, %add3A_649], %gather3A_646 : memref<8x128xf32, #tpu.memory_space<vmem>>[vector<16xi32>, vector<16xi32>], vector<16xf32>,
    %dma_start3A_650 = arith.constant 0 : i32
    %dma_start3A_651 = arith.constant 0 : i32
    %dma_start3A_652 = arith.constant 0 : i32
    %dma_start3A_653 = tpu.memref_slice %arg4[%dma_start3A_650, %dma_start3A_651, %dma_start3A_652] : memref<2x128x128xf32, #tpu.memory_space<vmem>> -> memref<1x128x128xf32, #tpu.memory_space<vmem>>
    %dma_start3A_654 = tpu.memref_squeeze %dma_start3A_653 : memref<1x128x128xf32, #tpu.memory_space<vmem>> -> memref<128x128xf32, #tpu.memory_space<vmem>>
    %dma_start3A_655 = arith.constant 0 : i32
    %dma_start3A_656 = tpu.memref_slice %arg2[%add3A_16, %dma_start3A_655] : memref<32768x4096xf32, #tpu.memory_space<hbm>> -> memref<128x128xf32, #tpu.memory_space<hbm>>
    %dma_start3A_657 = arith.constant 0 : i32
    %dma_start3A_658 = arith.constant 0 : i32
    %dma_start3A_659 = tpu.memref_slice %arg4[%dma_start3A_650, %dma_start3A_657, %dma_start3A_658] : memref<2x128x128xf32, #tpu.memory_space<vmem>> -> memref<1x128x128xf32, #tpu.memory_space<vmem>>
    %dma_start3A_660 = tpu.memref_squeeze %dma_start3A_659 : memref<1x128x128xf32, #tpu.memory_space<vmem>> -> memref<128x128xf32, #tpu.memory_space<vmem>>
    %dma_start3A_661 = arith.constant 0 : i32
    %dma_start3A_662 = tpu.memref_slice %arg2[%add3A_16, %dma_start3A_661] : memref<32768x4096xf32, #tpu.memory_space<hbm>> -> memref<128x128xf32, #tpu.memory_space<hbm>>
    tpu.enqueue_dma source(%dma_start3A_662 : memref<128x128xf32, #tpu.memory_space<hbm>>) target(%dma_start3A_660 : memref<128x128xf32, #tpu.memory_space<vmem>>) target_semaphore(%arg6 : memref<!tpu.dma_semaphore, #tpu.memory_space<semaphore_mem>>)
    %dma_wait3A_663 = arith.constant 1 : i32
    %dma_wait3A_664 = arith.constant 0 : i32
    %dma_wait3A_665 = arith.constant 0 : i32
    %dma_wait3A_666 = tpu.memref_slice %arg4[%dma_wait3A_663, %dma_wait3A_664, %dma_wait3A_665] : memref<2x128x128xf32, #tpu.memory_space<vmem>> -> memref<1x128x128xf32, #tpu.memory_space<vmem>>
    %dma_wait3A_667 = tpu.memref_squeeze %dma_wait3A_666 : memref<1x128x128xf32, #tpu.memory_space<vmem>> -> memref<128x128xf32, #tpu.memory_space<vmem>>
    %dma_wait3A_668 = arith.constant 0 : i32
    %dma_wait3A_669 = tpu.memref_slice %arg2[%add3A_14, %dma_wait3A_668] : memref<32768x4096xf32, #tpu.memory_space<hbm>> -> memref<128x128xf32, #tpu.memory_space<hbm>>
    %dma_wait3A_670 = arith.constant 0 : i32
    %dma_wait3A_671 = arith.constant 0 : i32
    %dma_wait3A_672 = tpu.memref_slice %arg4[%dma_wait3A_663, %dma_wait3A_670, %dma_wait3A_671] : memref<2x128x128xf32, #tpu.memory_space<vmem>> -> memref<1x128x128xf32, #tpu.memory_space<vmem>>
    %dma_wait3A_673 = tpu.memref_squeeze %dma_wait3A_672 : memref<1x128x128xf32, #tpu.memory_space<vmem>> -> memref<128x128xf32, #tpu.memory_space<vmem>>
    %dma_wait3A_674 = arith.constant 0 : i32
    %dma_wait3A_675 = tpu.memref_slice %arg2[%add3A_14, %dma_wait3A_674] : memref<32768x4096xf32, #tpu.memory_space<hbm>> -> memref<128x128xf32, #tpu.memory_space<hbm>>
    tpu.wait_dma2 semaphore(%arg7 : memref<!tpu.dma_semaphore, #tpu.memory_space<semaphore_mem>>) src(%dma_wait3A_675 : memref<128x128xf32, #tpu.memory_space<hbm>>) dst(%dma_wait3A_673 : memref<128x128xf32, #tpu.memory_space<vmem>>)
    %broadcast_in_dim3A_676 = arith.constant 5 : i32
    %broadcast_in_dim3A_677 = vector.broadcast %broadcast_in_dim3A_676 : i32 to vector<16xi32>
    %add3A_678 = arith.constant 0 : i32
    %add3A_679 = vector.broadcast %add3A_678 : i32 to vector<16xi32>
    %add3A_680 = arith.addi %iota3A, %add3A_679 : vector<16xi32>
    %gather3A_681 = arith.constant 1 : i32
    %gather3A_682 = arith.constant 0 : i32
    %gather3A_683 = arith.constant 0 : i32
    %gather3A_684 = tpu.memref_slice %arg4[%gather3A_681, %gather3A_682, %gather3A_683] : memref<2x128x128xf32, #tpu.memory_space<vmem>> -> memref<1x128x128xf32, #tpu.memory_space<vmem>>
    %gather3A_685 = tpu.memref_squeeze %gather3A_684 : memref<1x128x128xf32, #tpu.memory_space<vmem>> -> memref<128x128xf32, #tpu.memory_space<vmem>>
    %gather3A_686 = tpu.vector_load_idx %gather3A_685[%add3A_680, %broadcast_in_dim3A_44] : memref<128x128xf32, #tpu.memory_space<vmem>>[vector<16xi32>, vector<16xi32>], vector<16xf32>,
    %add3A_687 = arith.constant 0 : i32
    %add3A_688 = vector.broadcast %add3A_687 : i32 to vector<16xi32>
    %add3A_689 = arith.addi %iota3A, %add3A_688 : vector<16xi32>
    tpu.vector_store_idx %arg5[%broadcast_in_dim3A_677, %add3A_689], %gather3A_686 : memref<8x128xf32, #tpu.memory_space<vmem>>[vector<16xi32>, vector<16xi32>], vector<16xf32>,
    %add3A_690 = arith.constant 16 : i32
    %add3A_691 = vector.broadcast %add3A_690 : i32 to vector<16xi32>
    %add3A_692 = arith.addi %iota3A, %add3A_691 : vector<16xi32>
    %gather3A_693 = arith.constant 1 : i32
    %gather3A_694 = arith.constant 0 : i32
    %gather3A_695 = arith.constant 0 : i32
    %gather3A_696 = tpu.memref_slice %arg4[%gather3A_693, %gather3A_694, %gather3A_695] : memref<2x128x128xf32, #tpu.memory_space<vmem>> -> memref<1x128x128xf32, #tpu.memory_space<vmem>>
    %gather3A_697 = tpu.memref_squeeze %gather3A_696 : memref<1x128x128xf32, #tpu.memory_space<vmem>> -> memref<128x128xf32, #tpu.memory_space<vmem>>
    %gather3A_698 = tpu.vector_load_idx %gather3A_697[%add3A_692, %broadcast_in_dim3A_44] : memref<128x128xf32, #tpu.memory_space<vmem>>[vector<16xi32>, vector<16xi32>], vector<16xf32>,
    %add3A_699 = arith.constant 16 : i32
    %add3A_700 = vector.broadcast %add3A_699 : i32 to vector<16xi32>
    %add3A_701 = arith.addi %iota3A, %add3A_700 : vector<16xi32>
    tpu.vector_store_idx %arg5[%broadcast_in_dim3A_677, %add3A_701], %gather3A_698 : memref<8x128xf32, #tpu.memory_space<vmem>>[vector<16xi32>, vector<16xi32>], vector<16xf32>,
    %add3A_702 = arith.constant 32 : i32
    %add3A_703 = vector.broadcast %add3A_702 : i32 to vector<16xi32>
    %add3A_704 = arith.addi %iota3A, %add3A_703 : vector<16xi32>
    %gather3A_705 = arith.constant 1 : i32
    %gather3A_706 = arith.constant 0 : i32
    %gather3A_707 = arith.constant 0 : i32
    %gather3A_708 = tpu.memref_slice %arg4[%gather3A_705, %gather3A_706, %gather3A_707] : memref<2x128x128xf32, #tpu.memory_space<vmem>> -> memref<1x128x128xf32, #tpu.memory_space<vmem>>
    %gather3A_709 = tpu.memref_squeeze %gather3A_708 : memref<1x128x128xf32, #tpu.memory_space<vmem>> -> memref<128x128xf32, #tpu.memory_space<vmem>>
    %gather3A_710 = tpu.vector_load_idx %gather3A_709[%add3A_704, %broadcast_in_dim3A_44] : memref<128x128xf32, #tpu.memory_space<vmem>>[vector<16xi32>, vector<16xi32>], vector<16xf32>,
    %add3A_711 = arith.constant 32 : i32
    %add3A_712 = vector.broadcast %add3A_711 : i32 to vector<16xi32>
    %add3A_713 = arith.addi %iota3A, %add3A_712 : vector<16xi32>
    tpu.vector_store_idx %arg5[%broadcast_in_dim3A_677, %add3A_713], %gather3A_710 : memref<8x128xf32, #tpu.memory_space<vmem>>[vector<16xi32>, vector<16xi32>], vector<16xf32>,
    %add3A_714 = arith.constant 48 : i32
    %add3A_715 = vector.broadcast %add3A_714 : i32 to vector<16xi32>
    %add3A_716 = arith.addi %iota3A, %add3A_715 : vector<16xi32>
    %gather3A_717 = arith.constant 1 : i32
    %gather3A_718 = arith.constant 0 : i32
    %gather3A_719 = arith.constant 0 : i32
    %gather3A_720 = tpu.memref_slice %arg4[%gather3A_717, %gather3A_718, %gather3A_719] : memref<2x128x128xf32, #tpu.memory_space<vmem>> -> memref<1x128x128xf32, #tpu.memory_space<vmem>>
    %gather3A_721 = tpu.memref_squeeze %gather3A_720 : memref<1x128x128xf32, #tpu.memory_space<vmem>> -> memref<128x128xf32, #tpu.memory_space<vmem>>
    %gather3A_722 = tpu.vector_load_idx %gather3A_721[%add3A_716, %broadcast_in_dim3A_44] : memref<128x128xf32, #tpu.memory_space<vmem>>[vector<16xi32>, vector<16xi32>], vector<16xf32>,
    %add3A_723 = arith.constant 48 : i32
    %add3A_724 = vector.broadcast %add3A_723 : i32 to vector<16xi32>
    %add3A_725 = arith.addi %iota3A, %add3A_724 : vector<16xi32>
    tpu.vector_store_idx %arg5[%broadcast_in_dim3A_677, %add3A_725], %gather3A_722 : memref<8x128xf32, #tpu.memory_space<vmem>>[vector<16xi32>, vector<16xi32>], vector<16xf32>,
    %add3A_726 = arith.constant 64 : i32
    %add3A_727 = vector.broadcast %add3A_726 : i32 to vector<16xi32>
    %add3A_728 = arith.addi %iota3A, %add3A_727 : vector<16xi32>
    %gather3A_729 = arith.constant 1 : i32
    %gather3A_730 = arith.constant 0 : i32
    %gather3A_731 = arith.constant 0 : i32
    %gather3A_732 = tpu.memref_slice %arg4[%gather3A_729, %gather3A_730, %gather3A_731] : memref<2x128x128xf32, #tpu.memory_space<vmem>> -> memref<1x128x128xf32, #tpu.memory_space<vmem>>
    %gather3A_733 = tpu.memref_squeeze %gather3A_732 : memref<1x128x128xf32, #tpu.memory_space<vmem>> -> memref<128x128xf32, #tpu.memory_space<vmem>>
    %gather3A_734 = tpu.vector_load_idx %gather3A_733[%add3A_728, %broadcast_in_dim3A_44] : memref<128x128xf32, #tpu.memory_space<vmem>>[vector<16xi32>, vector<16xi32>], vector<16xf32>,
    %add3A_735 = arith.constant 64 : i32
    %add3A_736 = vector.broadcast %add3A_735 : i32 to vector<16xi32>
    %add3A_737 = arith.addi %iota3A, %add3A_736 : vector<16xi32>
    tpu.vector_store_idx %arg5[%broadcast_in_dim3A_677, %add3A_737], %gather3A_734 : memref<8x128xf32, #tpu.memory_space<vmem>>[vector<16xi32>, vector<16xi32>], vector<16xf32>,
    %add3A_738 = arith.constant 80 : i32
    %add3A_739 = vector.broadcast %add3A_738 : i32 to vector<16xi32>
    %add3A_740 = arith.addi %iota3A, %add3A_739 : vector<16xi32>
    %gather3A_741 = arith.constant 1 : i32
    %gather3A_742 = arith.constant 0 : i32
    %gather3A_743 = arith.constant 0 : i32
    %gather3A_744 = tpu.memref_slice %arg4[%gather3A_741, %gather3A_742, %gather3A_743] : memref<2x128x128xf32, #tpu.memory_space<vmem>> -> memref<1x128x128xf32, #tpu.memory_space<vmem>>
    %gather3A_745 = tpu.memref_squeeze %gather3A_744 : memref<1x128x128xf32, #tpu.memory_space<vmem>> -> memref<128x128xf32, #tpu.memory_space<vmem>>
    %gather3A_746 = tpu.vector_load_idx %gather3A_745[%add3A_740, %broadcast_in_dim3A_44] : memref<128x128xf32, #tpu.memory_space<vmem>>[vector<16xi32>, vector<16xi32>], vector<16xf32>,
    %add3A_747 = arith.constant 80 : i32
    %add3A_748 = vector.broadcast %add3A_747 : i32 to vector<16xi32>
    %add3A_749 = arith.addi %iota3A, %add3A_748 : vector<16xi32>
    tpu.vector_store_idx %arg5[%broadcast_in_dim3A_677, %add3A_749], %gather3A_746 : memref<8x128xf32, #tpu.memory_space<vmem>>[vector<16xi32>, vector<16xi32>], vector<16xf32>,
    %add3A_750 = arith.constant 96 : i32
    %add3A_751 = vector.broadcast %add3A_750 : i32 to vector<16xi32>
    %add3A_752 = arith.addi %iota3A, %add3A_751 : vector<16xi32>
    %gather3A_753 = arith.constant 1 : i32
    %gather3A_754 = arith.constant 0 : i32
    %gather3A_755 = arith.constant 0 : i32
    %gather3A_756 = tpu.memref_slice %arg4[%gather3A_753, %gather3A_754, %gather3A_755] : memref<2x128x128xf32, #tpu.memory_space<vmem>> -> memref<1x128x128xf32, #tpu.memory_space<vmem>>
    %gather3A_757 = tpu.memref_squeeze %gather3A_756 : memref<1x128x128xf32, #tpu.memory_space<vmem>> -> memref<128x128xf32, #tpu.memory_space<vmem>>
    %gather3A_758 = tpu.vector_load_idx %gather3A_757[%add3A_752, %broadcast_in_dim3A_44] : memref<128x128xf32, #tpu.memory_space<vmem>>[vector<16xi32>, vector<16xi32>], vector<16xf32>,
    %add3A_759 = arith.constant 96 : i32
    %add3A_760 = vector.broadcast %add3A_759 : i32 to vector<16xi32>
    %add3A_761 = arith.addi %iota3A, %add3A_760 : vector<16xi32>
    tpu.vector_store_idx %arg5[%broadcast_in_dim3A_677, %add3A_761], %gather3A_758 : memref<8x128xf32, #tpu.memory_space<vmem>>[vector<16xi32>, vector<16xi32>], vector<16xf32>,
    %add3A_762 = arith.constant 112 : i32
    %add3A_763 = vector.broadcast %add3A_762 : i32 to vector<16xi32>
    %add3A_764 = arith.addi %iota3A, %add3A_763 : vector<16xi32>
    %gather3A_765 = arith.constant 1 : i32
    %gather3A_766 = arith.constant 0 : i32
    %gather3A_767 = arith.constant 0 : i32
    %gather3A_768 = tpu.memref_slice %arg4[%gather3A_765, %gather3A_766, %gather3A_767] : memref<2x128x128xf32, #tpu.memory_space<vmem>> -> memref<1x128x128xf32, #tpu.memory_space<vmem>>
    %gather3A_769 = tpu.memref_squeeze %gather3A_768 : memref<1x128x128xf32, #tpu.memory_space<vmem>> -> memref<128x128xf32, #tpu.memory_space<vmem>>
    %gather3A_770 = tpu.vector_load_idx %gather3A_769[%add3A_764, %broadcast_in_dim3A_44] : memref<128x128xf32, #tpu.memory_space<vmem>>[vector<16xi32>, vector<16xi32>], vector<16xf32>,
    %add3A_771 = arith.constant 112 : i32
    %add3A_772 = vector.broadcast %add3A_771 : i32 to vector<16xi32>
    %add3A_773 = arith.addi %iota3A, %add3A_772 : vector<16xi32>
    tpu.vector_store_idx %arg5[%broadcast_in_dim3A_677, %add3A_773], %gather3A_770 : memref<8x128xf32, #tpu.memory_space<vmem>>[vector<16xi32>, vector<16xi32>], vector<16xf32>,
    %dma_start3A_774 = arith.constant 1 : i32
    %dma_start3A_775 = arith.constant 0 : i32
    %dma_start3A_776 = arith.constant 0 : i32
    %dma_start3A_777 = tpu.memref_slice %arg4[%dma_start3A_774, %dma_start3A_775, %dma_start3A_776] : memref<2x128x128xf32, #tpu.memory_space<vmem>> -> memref<1x128x128xf32, #tpu.memory_space<vmem>>
    %dma_start3A_778 = tpu.memref_squeeze %dma_start3A_777 : memref<1x128x128xf32, #tpu.memory_space<vmem>> -> memref<128x128xf32, #tpu.memory_space<vmem>>
    %dma_start3A_779 = arith.constant 0 : i32
    %dma_start3A_780 = tpu.memref_slice %arg2[%add3A_18, %dma_start3A_779] : memref<32768x4096xf32, #tpu.memory_space<hbm>> -> memref<128x128xf32, #tpu.memory_space<hbm>>
    %dma_start3A_781 = arith.constant 0 : i32
    %dma_start3A_782 = arith.constant 0 : i32
    %dma_start3A_783 = tpu.memref_slice %arg4[%dma_start3A_774, %dma_start3A_781, %dma_start3A_782] : memref<2x128x128xf32, #tpu.memory_space<vmem>> -> memref<1x128x128xf32, #tpu.memory_space<vmem>>
    %dma_start3A_784 = tpu.memref_squeeze %dma_start3A_783 : memref<1x128x128xf32, #tpu.memory_space<vmem>> -> memref<128x128xf32, #tpu.memory_space<vmem>>
    %dma_start3A_785 = arith.constant 0 : i32
    %dma_start3A_786 = tpu.memref_slice %arg2[%add3A_18, %dma_start3A_785] : memref<32768x4096xf32, #tpu.memory_space<hbm>> -> memref<128x128xf32, #tpu.memory_space<hbm>>
    tpu.enqueue_dma source(%dma_start3A_786 : memref<128x128xf32, #tpu.memory_space<hbm>>) target(%dma_start3A_784 : memref<128x128xf32, #tpu.memory_space<vmem>>) target_semaphore(%arg7 : memref<!tpu.dma_semaphore, #tpu.memory_space<semaphore_mem>>)
    %dma_wait3A_787 = arith.constant 0 : i32
    %dma_wait3A_788 = arith.constant 0 : i32
    %dma_wait3A_789 = arith.constant 0 : i32
    %dma_wait3A_790 = tpu.memref_slice %arg4[%dma_wait3A_787, %dma_wait3A_788, %dma_wait3A_789] : memref<2x128x128xf32, #tpu.memory_space<vmem>> -> memref<1x128x128xf32, #tpu.memory_space<vmem>>
    %dma_wait3A_791 = tpu.memref_squeeze %dma_wait3A_790 : memref<1x128x128xf32, #tpu.memory_space<vmem>> -> memref<128x128xf32, #tpu.memory_space<vmem>>
    %dma_wait3A_792 = arith.constant 0 : i32
    %dma_wait3A_793 = tpu.memref_slice %arg2[%add3A_16, %dma_wait3A_792] : memref<32768x4096xf32, #tpu.memory_space<hbm>> -> memref<128x128xf32, #tpu.memory_space<hbm>>
    %dma_wait3A_794 = arith.constant 0 : i32
    %dma_wait3A_795 = arith.constant 0 : i32
    %dma_wait3A_796 = tpu.memref_slice %arg4[%dma_wait3A_787, %dma_wait3A_794, %dma_wait3A_795] : memref<2x128x128xf32, #tpu.memory_space<vmem>> -> memref<1x128x128xf32, #tpu.memory_space<vmem>>
    %dma_wait3A_797 = tpu.memref_squeeze %dma_wait3A_796 : memref<1x128x128xf32, #tpu.memory_space<vmem>> -> memref<128x128xf32, #tpu.memory_space<vmem>>
    %dma_wait3A_798 = arith.constant 0 : i32
    %dma_wait3A_799 = tpu.memref_slice %arg2[%add3A_16, %dma_wait3A_798] : memref<32768x4096xf32, #tpu.memory_space<hbm>> -> memref<128x128xf32, #tpu.memory_space<hbm>>
    tpu.wait_dma2 semaphore(%arg6 : memref<!tpu.dma_semaphore, #tpu.memory_space<semaphore_mem>>) src(%dma_wait3A_799 : memref<128x128xf32, #tpu.memory_space<hbm>>) dst(%dma_wait3A_797 : memref<128x128xf32, #tpu.memory_space<vmem>>)
    %broadcast_in_dim3A_800 = arith.constant 6 : i32
    %broadcast_in_dim3A_801 = vector.broadcast %broadcast_in_dim3A_800 : i32 to vector<16xi32>
    %add3A_802 = arith.constant 0 : i32
    %add3A_803 = vector.broadcast %add3A_802 : i32 to vector<16xi32>
    %add3A_804 = arith.addi %iota3A, %add3A_803 : vector<16xi32>
    %gather3A_805 = arith.constant 0 : i32
    %gather3A_806 = arith.constant 0 : i32
    %gather3A_807 = arith.constant 0 : i32
    %gather3A_808 = tpu.memref_slice %arg4[%gather3A_805, %gather3A_806, %gather3A_807] : memref<2x128x128xf32, #tpu.memory_space<vmem>> -> memref<1x128x128xf32, #tpu.memory_space<vmem>>
    %gather3A_809 = tpu.memref_squeeze %gather3A_808 : memref<1x128x128xf32, #tpu.memory_space<vmem>> -> memref<128x128xf32, #tpu.memory_space<vmem>>
    %gather3A_810 = tpu.vector_load_idx %gather3A_809[%add3A_804, %broadcast_in_dim3A_44] : memref<128x128xf32, #tpu.memory_space<vmem>>[vector<16xi32>, vector<16xi32>], vector<16xf32>,
    %add3A_811 = arith.constant 0 : i32
    %add3A_812 = vector.broadcast %add3A_811 : i32 to vector<16xi32>
    %add3A_813 = arith.addi %iota3A, %add3A_812 : vector<16xi32>
    tpu.vector_store_idx %arg5[%broadcast_in_dim3A_801, %add3A_813], %gather3A_810 : memref<8x128xf32, #tpu.memory_space<vmem>>[vector<16xi32>, vector<16xi32>], vector<16xf32>,
    %add3A_814 = arith.constant 16 : i32
    %add3A_815 = vector.broadcast %add3A_814 : i32 to vector<16xi32>
    %add3A_816 = arith.addi %iota3A, %add3A_815 : vector<16xi32>
    %gather3A_817 = arith.constant 0 : i32
    %gather3A_818 = arith.constant 0 : i32
    %gather3A_819 = arith.constant 0 : i32
    %gather3A_820 = tpu.memref_slice %arg4[%gather3A_817, %gather3A_818, %gather3A_819] : memref<2x128x128xf32, #tpu.memory_space<vmem>> -> memref<1x128x128xf32, #tpu.memory_space<vmem>>
    %gather3A_821 = tpu.memref_squeeze %gather3A_820 : memref<1x128x128xf32, #tpu.memory_space<vmem>> -> memref<128x128xf32, #tpu.memory_space<vmem>>
    %gather3A_822 = tpu.vector_load_idx %gather3A_821[%add3A_816, %broadcast_in_dim3A_44] : memref<128x128xf32, #tpu.memory_space<vmem>>[vector<16xi32>, vector<16xi32>], vector<16xf32>,
    %add3A_823 = arith.constant 16 : i32
    %add3A_824 = vector.broadcast %add3A_823 : i32 to vector<16xi32>
    %add3A_825 = arith.addi %iota3A, %add3A_824 : vector<16xi32>
    tpu.vector_store_idx %arg5[%broadcast_in_dim3A_801, %add3A_825], %gather3A_822 : memref<8x128xf32, #tpu.memory_space<vmem>>[vector<16xi32>, vector<16xi32>], vector<16xf32>,
    %add3A_826 = arith.constant 32 : i32
    %add3A_827 = vector.broadcast %add3A_826 : i32 to vector<16xi32>
    %add3A_828 = arith.addi %iota3A, %add3A_827 : vector<16xi32>
    %gather3A_829 = arith.constant 0 : i32
    %gather3A_830 = arith.constant 0 : i32
    %gather3A_831 = arith.constant 0 : i32
    %gather3A_832 = tpu.memref_slice %arg4[%gather3A_829, %gather3A_830, %gather3A_831] : memref<2x128x128xf32, #tpu.memory_space<vmem>> -> memref<1x128x128xf32, #tpu.memory_space<vmem>>
    %gather3A_833 = tpu.memref_squeeze %gather3A_832 : memref<1x128x128xf32, #tpu.memory_space<vmem>> -> memref<128x128xf32, #tpu.memory_space<vmem>>
    %gather3A_834 = tpu.vector_load_idx %gather3A_833[%add3A_828, %broadcast_in_dim3A_44] : memref<128x128xf32, #tpu.memory_space<vmem>>[vector<16xi32>, vector<16xi32>], vector<16xf32>,
    %add3A_835 = arith.constant 32 : i32
    %add3A_836 = vector.broadcast %add3A_835 : i32 to vector<16xi32>
    %add3A_837 = arith.addi %iota3A, %add3A_836 : vector<16xi32>
    tpu.vector_store_idx %arg5[%broadcast_in_dim3A_801, %add3A_837], %gather3A_834 : memref<8x128xf32, #tpu.memory_space<vmem>>[vector<16xi32>, vector<16xi32>], vector<16xf32>,
    %add3A_838 = arith.constant 48 : i32
    %add3A_839 = vector.broadcast %add3A_838 : i32 to vector<16xi32>
    %add3A_840 = arith.addi %iota3A, %add3A_839 : vector<16xi32>
    %gather3A_841 = arith.constant 0 : i32
    %gather3A_842 = arith.constant 0 : i32
    %gather3A_843 = arith.constant 0 : i32
    %gather3A_844 = tpu.memref_slice %arg4[%gather3A_841, %gather3A_842, %gather3A_843] : memref<2x128x128xf32, #tpu.memory_space<vmem>> -> memref<1x128x128xf32, #tpu.memory_space<vmem>>
    %gather3A_845 = tpu.memref_squeeze %gather3A_844 : memref<1x128x128xf32, #tpu.memory_space<vmem>> -> memref<128x128xf32, #tpu.memory_space<vmem>>
    %gather3A_846 = tpu.vector_load_idx %gather3A_845[%add3A_840, %broadcast_in_dim3A_44] : memref<128x128xf32, #tpu.memory_space<vmem>>[vector<16xi32>, vector<16xi32>], vector<16xf32>,
    %add3A_847 = arith.constant 48 : i32
    %add3A_848 = vector.broadcast %add3A_847 : i32 to vector<16xi32>
    %add3A_849 = arith.addi %iota3A, %add3A_848 : vector<16xi32>
    tpu.vector_store_idx %arg5[%broadcast_in_dim3A_801, %add3A_849], %gather3A_846 : memref<8x128xf32, #tpu.memory_space<vmem>>[vector<16xi32>, vector<16xi32>], vector<16xf32>,
    %add3A_850 = arith.constant 64 : i32
    %add3A_851 = vector.broadcast %add3A_850 : i32 to vector<16xi32>
    %add3A_852 = arith.addi %iota3A, %add3A_851 : vector<16xi32>
    %gather3A_853 = arith.constant 0 : i32
    %gather3A_854 = arith.constant 0 : i32
    %gather3A_855 = arith.constant 0 : i32
    %gather3A_856 = tpu.memref_slice %arg4[%gather3A_853, %gather3A_854, %gather3A_855] : memref<2x128x128xf32, #tpu.memory_space<vmem>> -> memref<1x128x128xf32, #tpu.memory_space<vmem>>
    %gather3A_857 = tpu.memref_squeeze %gather3A_856 : memref<1x128x128xf32, #tpu.memory_space<vmem>> -> memref<128x128xf32, #tpu.memory_space<vmem>>
    %gather3A_858 = tpu.vector_load_idx %gather3A_857[%add3A_852, %broadcast_in_dim3A_44] : memref<128x128xf32, #tpu.memory_space<vmem>>[vector<16xi32>, vector<16xi32>], vector<16xf32>,
    %add3A_859 = arith.constant 64 : i32
    %add3A_860 = vector.broadcast %add3A_859 : i32 to vector<16xi32>
    %add3A_861 = arith.addi %iota3A, %add3A_860 : vector<16xi32>
    tpu.vector_store_idx %arg5[%broadcast_in_dim3A_801, %add3A_861], %gather3A_858 : memref<8x128xf32, #tpu.memory_space<vmem>>[vector<16xi32>, vector<16xi32>], vector<16xf32>,
    %add3A_862 = arith.constant 80 : i32
    %add3A_863 = vector.broadcast %add3A_862 : i32 to vector<16xi32>
    %add3A_864 = arith.addi %iota3A, %add3A_863 : vector<16xi32>
    %gather3A_865 = arith.constant 0 : i32
    %gather3A_866 = arith.constant 0 : i32
    %gather3A_867 = arith.constant 0 : i32
    %gather3A_868 = tpu.memref_slice %arg4[%gather3A_865, %gather3A_866, %gather3A_867] : memref<2x128x128xf32, #tpu.memory_space<vmem>> -> memref<1x128x128xf32, #tpu.memory_space<vmem>>
    %gather3A_869 = tpu.memref_squeeze %gather3A_868 : memref<1x128x128xf32, #tpu.memory_space<vmem>> -> memref<128x128xf32, #tpu.memory_space<vmem>>
    %gather3A_870 = tpu.vector_load_idx %gather3A_869[%add3A_864, %broadcast_in_dim3A_44] : memref<128x128xf32, #tpu.memory_space<vmem>>[vector<16xi32>, vector<16xi32>], vector<16xf32>,
    %add3A_871 = arith.constant 80 : i32
    %add3A_872 = vector.broadcast %add3A_871 : i32 to vector<16xi32>
    %add3A_873 = arith.addi %iota3A, %add3A_872 : vector<16xi32>
    tpu.vector_store_idx %arg5[%broadcast_in_dim3A_801, %add3A_873], %gather3A_870 : memref<8x128xf32, #tpu.memory_space<vmem>>[vector<16xi32>, vector<16xi32>], vector<16xf32>,
    %add3A_874 = arith.constant 96 : i32
    %add3A_875 = vector.broadcast %add3A_874 : i32 to vector<16xi32>
    %add3A_876 = arith.addi %iota3A, %add3A_875 : vector<16xi32>
    %gather3A_877 = arith.constant 0 : i32
    %gather3A_878 = arith.constant 0 : i32
    %gather3A_879 = arith.constant 0 : i32
    %gather3A_880 = tpu.memref_slice %arg4[%gather3A_877, %gather3A_878, %gather3A_879] : memref<2x128x128xf32, #tpu.memory_space<vmem>> -> memref<1x128x128xf32, #tpu.memory_space<vmem>>
    %gather3A_881 = tpu.memref_squeeze %gather3A_880 : memref<1x128x128xf32, #tpu.memory_space<vmem>> -> memref<128x128xf32, #tpu.memory_space<vmem>>
    %gather3A_882 = tpu.vector_load_idx %gather3A_881[%add3A_876, %broadcast_in_dim3A_44] : memref<128x128xf32, #tpu.memory_space<vmem>>[vector<16xi32>, vector<16xi32>], vector<16xf32>,
    %add3A_883 = arith.constant 96 : i32
    %add3A_884 = vector.broadcast %add3A_883 : i32 to vector<16xi32>
    %add3A_885 = arith.addi %iota3A, %add3A_884 : vector<16xi32>
    tpu.vector_store_idx %arg5[%broadcast_in_dim3A_801, %add3A_885], %gather3A_882 : memref<8x128xf32, #tpu.memory_space<vmem>>[vector<16xi32>, vector<16xi32>], vector<16xf32>,
    %add3A_886 = arith.constant 112 : i32
    %add3A_887 = vector.broadcast %add3A_886 : i32 to vector<16xi32>
    %add3A_888 = arith.addi %iota3A, %add3A_887 : vector<16xi32>
    %gather3A_889 = arith.constant 0 : i32
    %gather3A_890 = arith.constant 0 : i32
    %gather3A_891 = arith.constant 0 : i32
    %gather3A_892 = tpu.memref_slice %arg4[%gather3A_889, %gather3A_890, %gather3A_891] : memref<2x128x128xf32, #tpu.memory_space<vmem>> -> memref<1x128x128xf32, #tpu.memory_space<vmem>>
    %gather3A_893 = tpu.memref_squeeze %gather3A_892 : memref<1x128x128xf32, #tpu.memory_space<vmem>> -> memref<128x128xf32, #tpu.memory_space<vmem>>
    %gather3A_894 = tpu.vector_load_idx %gather3A_893[%add3A_888, %broadcast_in_dim3A_44] : memref<128x128xf32, #tpu.memory_space<vmem>>[vector<16xi32>, vector<16xi32>], vector<16xf32>,
    %add3A_895 = arith.constant 112 : i32
    %add3A_896 = vector.broadcast %add3A_895 : i32 to vector<16xi32>
    %add3A_897 = arith.addi %iota3A, %add3A_896 : vector<16xi32>
    tpu.vector_store_idx %arg5[%broadcast_in_dim3A_801, %add3A_897], %gather3A_894 : memref<8x128xf32, #tpu.memory_space<vmem>>[vector<16xi32>, vector<16xi32>], vector<16xf32>,
    %dma_wait3A_898 = arith.constant 1 : i32
    %dma_wait3A_899 = arith.constant 0 : i32
    %dma_wait3A_900 = arith.constant 0 : i32
    %dma_wait3A_901 = tpu.memref_slice %arg4[%dma_wait3A_898, %dma_wait3A_899, %dma_wait3A_900] : memref<2x128x128xf32, #tpu.memory_space<vmem>> -> memref<1x128x128xf32, #tpu.memory_space<vmem>>
    %dma_wait3A_902 = tpu.memref_squeeze %dma_wait3A_901 : memref<1x128x128xf32, #tpu.memory_space<vmem>> -> memref<128x128xf32, #tpu.memory_space<vmem>>
    %dma_wait3A_903 = arith.constant 0 : i32
    %dma_wait3A_904 = tpu.memref_slice %arg2[%add3A_18, %dma_wait3A_903] : memref<32768x4096xf32, #tpu.memory_space<hbm>> -> memref<128x128xf32, #tpu.memory_space<hbm>>
    %dma_wait3A_905 = arith.constant 0 : i32
    %dma_wait3A_906 = arith.constant 0 : i32
    %dma_wait3A_907 = tpu.memref_slice %arg4[%dma_wait3A_898, %dma_wait3A_905, %dma_wait3A_906] : memref<2x128x128xf32, #tpu.memory_space<vmem>> -> memref<1x128x128xf32, #tpu.memory_space<vmem>>
    %dma_wait3A_908 = tpu.memref_squeeze %dma_wait3A_907 : memref<1x128x128xf32, #tpu.memory_space<vmem>> -> memref<128x128xf32, #tpu.memory_space<vmem>>
    %dma_wait3A_909 = arith.constant 0 : i32
    %dma_wait3A_910 = tpu.memref_slice %arg2[%add3A_18, %dma_wait3A_909] : memref<32768x4096xf32, #tpu.memory_space<hbm>> -> memref<128x128xf32, #tpu.memory_space<hbm>>
    tpu.wait_dma2 semaphore(%arg7 : memref<!tpu.dma_semaphore, #tpu.memory_space<semaphore_mem>>) src(%dma_wait3A_910 : memref<128x128xf32, #tpu.memory_space<hbm>>) dst(%dma_wait3A_908 : memref<128x128xf32, #tpu.memory_space<vmem>>)
    %broadcast_in_dim3A_911 = arith.constant 7 : i32
    %broadcast_in_dim3A_912 = vector.broadcast %broadcast_in_dim3A_911 : i32 to vector<16xi32>
    %add3A_913 = arith.constant 0 : i32
    %add3A_914 = vector.broadcast %add3A_913 : i32 to vector<16xi32>
    %add3A_915 = arith.addi %iota3A, %add3A_914 : vector<16xi32>
    %gather3A_916 = arith.constant 1 : i32
    %gather3A_917 = arith.constant 0 : i32
    %gather3A_918 = arith.constant 0 : i32
    %gather3A_919 = tpu.memref_slice %arg4[%gather3A_916, %gather3A_917, %gather3A_918] : memref<2x128x128xf32, #tpu.memory_space<vmem>> -> memref<1x128x128xf32, #tpu.memory_space<vmem>>
    %gather3A_920 = tpu.memref_squeeze %gather3A_919 : memref<1x128x128xf32, #tpu.memory_space<vmem>> -> memref<128x128xf32, #tpu.memory_space<vmem>>
    %gather3A_921 = tpu.vector_load_idx %gather3A_920[%add3A_915, %broadcast_in_dim3A_44] : memref<128x128xf32, #tpu.memory_space<vmem>>[vector<16xi32>, vector<16xi32>], vector<16xf32>,
    %add3A_922 = arith.constant 0 : i32
    %add3A_923 = vector.broadcast %add3A_922 : i32 to vector<16xi32>
    %add3A_924 = arith.addi %iota3A, %add3A_923 : vector<16xi32>
    tpu.vector_store_idx %arg5[%broadcast_in_dim3A_912, %add3A_924], %gather3A_921 : memref<8x128xf32, #tpu.memory_space<vmem>>[vector<16xi32>, vector<16xi32>], vector<16xf32>,
    %add3A_925 = arith.constant 16 : i32
    %add3A_926 = vector.broadcast %add3A_925 : i32 to vector<16xi32>
    %add3A_927 = arith.addi %iota3A, %add3A_926 : vector<16xi32>
    %gather3A_928 = arith.constant 1 : i32
    %gather3A_929 = arith.constant 0 : i32
    %gather3A_930 = arith.constant 0 : i32
    %gather3A_931 = tpu.memref_slice %arg4[%gather3A_928, %gather3A_929, %gather3A_930] : memref<2x128x128xf32, #tpu.memory_space<vmem>> -> memref<1x128x128xf32, #tpu.memory_space<vmem>>
    %gather3A_932 = tpu.memref_squeeze %gather3A_931 : memref<1x128x128xf32, #tpu.memory_space<vmem>> -> memref<128x128xf32, #tpu.memory_space<vmem>>
    %gather3A_933 = tpu.vector_load_idx %gather3A_932[%add3A_927, %broadcast_in_dim3A_44] : memref<128x128xf32, #tpu.memory_space<vmem>>[vector<16xi32>, vector<16xi32>], vector<16xf32>,
    %add3A_934 = arith.constant 16 : i32
    %add3A_935 = vector.broadcast %add3A_934 : i32 to vector<16xi32>
    %add3A_936 = arith.addi %iota3A, %add3A_935 : vector<16xi32>
    tpu.vector_store_idx %arg5[%broadcast_in_dim3A_912, %add3A_936], %gather3A_933 : memref<8x128xf32, #tpu.memory_space<vmem>>[vector<16xi32>, vector<16xi32>], vector<16xf32>,
    %add3A_937 = arith.constant 32 : i32
    %add3A_938 = vector.broadcast %add3A_937 : i32 to vector<16xi32>
    %add3A_939 = arith.addi %iota3A, %add3A_938 : vector<16xi32>
    %gather3A_940 = arith.constant 1 : i32
    %gather3A_941 = arith.constant 0 : i32
    %gather3A_942 = arith.constant 0 : i32
    %gather3A_943 = tpu.memref_slice %arg4[%gather3A_940, %gather3A_941, %gather3A_942] : memref<2x128x128xf32, #tpu.memory_space<vmem>> -> memref<1x128x128xf32, #tpu.memory_space<vmem>>
    %gather3A_944 = tpu.memref_squeeze %gather3A_943 : memref<1x128x128xf32, #tpu.memory_space<vmem>> -> memref<128x128xf32, #tpu.memory_space<vmem>>
    %gather3A_945 = tpu.vector_load_idx %gather3A_944[%add3A_939, %broadcast_in_dim3A_44] : memref<128x128xf32, #tpu.memory_space<vmem>>[vector<16xi32>, vector<16xi32>], vector<16xf32>,
    %add3A_946 = arith.constant 32 : i32
    %add3A_947 = vector.broadcast %add3A_946 : i32 to vector<16xi32>
    %add3A_948 = arith.addi %iota3A, %add3A_947 : vector<16xi32>
    tpu.vector_store_idx %arg5[%broadcast_in_dim3A_912, %add3A_948], %gather3A_945 : memref<8x128xf32, #tpu.memory_space<vmem>>[vector<16xi32>, vector<16xi32>], vector<16xf32>,
    %add3A_949 = arith.constant 48 : i32
    %add3A_950 = vector.broadcast %add3A_949 : i32 to vector<16xi32>
    %add3A_951 = arith.addi %iota3A, %add3A_950 : vector<16xi32>
    %gather3A_952 = arith.constant 1 : i32
    %gather3A_953 = arith.constant 0 : i32
    %gather3A_954 = arith.constant 0 : i32
    %gather3A_955 = tpu.memref_slice %arg4[%gather3A_952, %gather3A_953, %gather3A_954] : memref<2x128x128xf32, #tpu.memory_space<vmem>> -> memref<1x128x128xf32, #tpu.memory_space<vmem>>
    %gather3A_956 = tpu.memref_squeeze %gather3A_955 : memref<1x128x128xf32, #tpu.memory_space<vmem>> -> memref<128x128xf32, #tpu.memory_space<vmem>>
    %gather3A_957 = tpu.vector_load_idx %gather3A_956[%add3A_951, %broadcast_in_dim3A_44] : memref<128x128xf32, #tpu.memory_space<vmem>>[vector<16xi32>, vector<16xi32>], vector<16xf32>,
    %add3A_958 = arith.constant 48 : i32
    %add3A_959 = vector.broadcast %add3A_958 : i32 to vector<16xi32>
    %add3A_960 = arith.addi %iota3A, %add3A_959 : vector<16xi32>
    tpu.vector_store_idx %arg5[%broadcast_in_dim3A_912, %add3A_960], %gather3A_957 : memref<8x128xf32, #tpu.memory_space<vmem>>[vector<16xi32>, vector<16xi32>], vector<16xf32>,
    %add3A_961 = arith.constant 64 : i32
    %add3A_962 = vector.broadcast %add3A_961 : i32 to vector<16xi32>
    %add3A_963 = arith.addi %iota3A, %add3A_962 : vector<16xi32>
    %gather3A_964 = arith.constant 1 : i32
    %gather3A_965 = arith.constant 0 : i32
    %gather3A_966 = arith.constant 0 : i32
    %gather3A_967 = tpu.memref_slice %arg4[%gather3A_964, %gather3A_965, %gather3A_966] : memref<2x128x128xf32, #tpu.memory_space<vmem>> -> memref<1x128x128xf32, #tpu.memory_space<vmem>>
    %gather3A_968 = tpu.memref_squeeze %gather3A_967 : memref<1x128x128xf32, #tpu.memory_space<vmem>> -> memref<128x128xf32, #tpu.memory_space<vmem>>
    %gather3A_969 = tpu.vector_load_idx %gather3A_968[%add3A_963, %broadcast_in_dim3A_44] : memref<128x128xf32, #tpu.memory_space<vmem>>[vector<16xi32>, vector<16xi32>], vector<16xf32>,
    %add3A_970 = arith.constant 64 : i32
    %add3A_971 = vector.broadcast %add3A_970 : i32 to vector<16xi32>
    %add3A_972 = arith.addi %iota3A, %add3A_971 : vector<16xi32>
    tpu.vector_store_idx %arg5[%broadcast_in_dim3A_912, %add3A_972], %gather3A_969 : memref<8x128xf32, #tpu.memory_space<vmem>>[vector<16xi32>, vector<16xi32>], vector<16xf32>,
    %add3A_973 = arith.constant 80 : i32
    %add3A_974 = vector.broadcast %add3A_973 : i32 to vector<16xi32>
    %add3A_975 = arith.addi %iota3A, %add3A_974 : vector<16xi32>
    %gather3A_976 = arith.constant 1 : i32
    %gather3A_977 = arith.constant 0 : i32
    %gather3A_978 = arith.constant 0 : i32
    %gather3A_979 = tpu.memref_slice %arg4[%gather3A_976, %gather3A_977, %gather3A_978] : memref<2x128x128xf32, #tpu.memory_space<vmem>> -> memref<1x128x128xf32, #tpu.memory_space<vmem>>
    %gather3A_980 = tpu.memref_squeeze %gather3A_979 : memref<1x128x128xf32, #tpu.memory_space<vmem>> -> memref<128x128xf32, #tpu.memory_space<vmem>>
    %gather3A_981 = tpu.vector_load_idx %gather3A_980[%add3A_975, %broadcast_in_dim3A_44] : memref<128x128xf32, #tpu.memory_space<vmem>>[vector<16xi32>, vector<16xi32>], vector<16xf32>,
    %add3A_982 = arith.constant 80 : i32
    %add3A_983 = vector.broadcast %add3A_982 : i32 to vector<16xi32>
    %add3A_984 = arith.addi %iota3A, %add3A_983 : vector<16xi32>
    tpu.vector_store_idx %arg5[%broadcast_in_dim3A_912, %add3A_984], %gather3A_981 : memref<8x128xf32, #tpu.memory_space<vmem>>[vector<16xi32>, vector<16xi32>], vector<16xf32>,
    %add3A_985 = arith.constant 96 : i32
    %add3A_986 = vector.broadcast %add3A_985 : i32 to vector<16xi32>
    %add3A_987 = arith.addi %iota3A, %add3A_986 : vector<16xi32>
    %gather3A_988 = arith.constant 1 : i32
    %gather3A_989 = arith.constant 0 : i32
    %gather3A_990 = arith.constant 0 : i32
    %gather3A_991 = tpu.memref_slice %arg4[%gather3A_988, %gather3A_989, %gather3A_990] : memref<2x128x128xf32, #tpu.memory_space<vmem>> -> memref<1x128x128xf32, #tpu.memory_space<vmem>>
    %gather3A_992 = tpu.memref_squeeze %gather3A_991 : memref<1x128x128xf32, #tpu.memory_space<vmem>> -> memref<128x128xf32, #tpu.memory_space<vmem>>
    %gather3A_993 = tpu.vector_load_idx %gather3A_992[%add3A_987, %broadcast_in_dim3A_44] : memref<128x128xf32, #tpu.memory_space<vmem>>[vector<16xi32>, vector<16xi32>], vector<16xf32>,
    %add3A_994 = arith.constant 96 : i32
    %add3A_995 = vector.broadcast %add3A_994 : i32 to vector<16xi32>
    %add3A_996 = arith.addi %iota3A, %add3A_995 : vector<16xi32>
    tpu.vector_store_idx %arg5[%broadcast_in_dim3A_912, %add3A_996], %gather3A_993 : memref<8x128xf32, #tpu.memory_space<vmem>>[vector<16xi32>, vector<16xi32>], vector<16xf32>,
    %add3A_997 = arith.constant 112 : i32
    %add3A_998 = vector.broadcast %add3A_997 : i32 to vector<16xi32>
    %add3A_999 = arith.addi %iota3A, %add3A_998 : vector<16xi32>
    %gather3A_1000 = arith.constant 1 : i32
    %gather3A_1001 = arith.constant 0 : i32
    %gather3A_1002 = arith.constant 0 : i32
    %gather3A_1003 = tpu.memref_slice %arg4[%gather3A_1000, %gather3A_1001, %gather3A_1002] : memref<2x128x128xf32, #tpu.memory_space<vmem>> -> memref<1x128x128xf32, #tpu.memory_space<vmem>>
    %gather3A_1004 = tpu.memref_squeeze %gather3A_1003 : memref<1x128x128xf32, #tpu.memory_space<vmem>> -> memref<128x128xf32, #tpu.memory_space<vmem>>
    %gather3A_1005 = tpu.vector_load_idx %gather3A_1004[%add3A_999, %broadcast_in_dim3A_44] : memref<128x128xf32, #tpu.memory_space<vmem>>[vector<16xi32>, vector<16xi32>], vector<16xf32>,
    %add3A_1006 = arith.constant 112 : i32
    %add3A_1007 = vector.broadcast %add3A_1006 : i32 to vector<16xi32>
    %add3A_1008 = arith.addi %iota3A, %add3A_1007 : vector<16xi32>
    tpu.vector_store_idx %arg5[%broadcast_in_dim3A_912, %add3A_1008], %gather3A_1005 : memref<8x128xf32, #tpu.memory_space<vmem>>[vector<16xi32>, vector<16xi32>], vector<16xf32>,
    "tpu.region"() ({
      %run_scoped3A = tpu.sem_alloc : memref<!tpu.dma_semaphore, #tpu.memory_space<semaphore_mem>>
      %dma_start3A_1009 = arith.constant 0 : i32
      %dma_start3A_1010 = arith.constant 0 : i32
      %dma_start3A_1011 = tpu.memref_slice %arg3[%add3A, %dma_start3A_1009, %dma_start3A_1010] : memref<32x8x128xf32, #tpu.memory_space<hbm>> -> memref<1x8x128xf32, #tpu.memory_space<hbm>>
      %dma_start3A_1012 = tpu.memref_squeeze %dma_start3A_1011 : memref<1x8x128xf32, #tpu.memory_space<hbm>> -> memref<8x128xf32, #tpu.memory_space<hbm>>
      %dma_start3A_1013 = arith.constant 0 : i32
      %dma_start3A_1014 = arith.constant 0 : i32
      %dma_start3A_1015 = tpu.memref_slice %arg3[%add3A, %dma_start3A_1013, %dma_start3A_1014] : memref<32x8x128xf32, #tpu.memory_space<hbm>> -> memref<1x8x128xf32, #tpu.memory_space<hbm>>
      %dma_start3A_1016 = tpu.memref_squeeze %dma_start3A_1015 : memref<1x8x128xf32, #tpu.memory_space<hbm>> -> memref<8x128xf32, #tpu.memory_space<hbm>>
      tpu.enqueue_dma source(%arg5 : memref<8x128xf32, #tpu.memory_space<vmem>>) target(%dma_start3A_1016 : memref<8x128xf32, #tpu.memory_space<hbm>>) target_semaphore(%run_scoped3A : memref<!tpu.dma_semaphore, #tpu.memory_space<semaphore_mem>>)
      %dma_wait3A_1017 = arith.constant 0 : i32
      %dma_wait3A_1018 = arith.constant 0 : i32
      %dma_wait3A_1019 = tpu.memref_slice %arg3[%add3A, %dma_wait3A_1017, %dma_wait3A_1018] : memref<32x8x128xf32, #tpu.memory_space<hbm>> -> memref<1x8x128xf32, #tpu.memory_space<hbm>>
      %dma_wait3A_1020 = tpu.memref_squeeze %dma_wait3A_1019 : memref<1x8x128xf32, #tpu.memory_space<hbm>> -> memref<8x128xf32, #tpu.memory_space<hbm>>
      %dma_wait3A_1021 = arith.constant 0 : i32
      %dma_wait3A_1022 = arith.constant 0 : i32
      %dma_wait3A_1023 = tpu.memref_slice %arg3[%add3A, %dma_wait3A_1021, %dma_wait3A_1022] : memref<32x8x128xf32, #tpu.memory_space<hbm>> -> memref<1x8x128xf32, #tpu.memory_space<hbm>>
      %dma_wait3A_1024 = tpu.memref_squeeze %dma_wait3A_1023 : memref<1x8x128xf32, #tpu.memory_space<hbm>> -> memref<8x128xf32, #tpu.memory_space<hbm>>
      tpu.wait_dma2 semaphore(%run_scoped3A : memref<!tpu.dma_semaphore, #tpu.memory_space<semaphore_mem>>) src(%arg5 : memref<8x128xf32, #tpu.memory_space<vmem>>) dst(%dma_wait3A_1024 : memref<8x128xf32, #tpu.memory_space<hbm>>)
      tpu.yield
    }) : () -> ()
    return
  }
}

</mosaic_0001>

<sc_bundles>
// kernel: kernel.3.cloned.1.call-start
scs
__scs_entry_jumppad:
0x0: {  	(pc) =	sbr.rel $0x88, $3  }
0x1: {  	(tag) =	ssettag $0x0;
	lr =	simm.s32 $0x1  }
0x2: {  	[smem:$0x3FA0] =	sst lr;
	_ =	strace $0xD0000000  }
0x3: {  	_ = 	snop  }
0x4: {  	_ = 	snop  }
0x5: {  	_ = 	snop  }
0x6: {  	_ = 	snop  }
0x7: {  	_ = 	snop  }
__scs_overlays_trampoline_lowered:
0x8: {  	[smem:$0x3FAF] =	sst s0  }
0x9: {  	[smem:$0x3FB0] =	sst s1  }
0xa: {  	[smem:$0x3FB1] =	sst s2  }
0xb: {  	[smem:$0x3FB2] =	sst s3  }
0xc: {  	[smem:$0x3FB3] =	sst s4  }
0xd: {  	[smem:$0x3FB4] =	sst s5  }
0xe: {  	[smem:$0x3FB5] =	sst s6  }
0xf: {  	[smem:$0x3FB6] =	sst s7  }
0x10: {  	[smem:$0x3FB7] =	sst s8  }
0x11: {  	[smem:$0x3FB8] =	sst s9;
	s0 =	simm.s32 @!p0 $0x0  }
0x12: {  	s1 =	sld [smem:$0x3F9E];
	s0 =	simm.s32 @p0 $0x1  }
0x13: {  	[smem:$0x3FB9] =	sst s0;
	s0 =	simm.s32 @!p1 $0x0  }
0x14: {  	s2 =	sld [smem:$0x3F9D];
	s0 =	simm.s32 @p1 $0x1  }
0x15: {  	[smem:$0x3FBA] =	sst s0;
	s0 =	simm.s32 @!p2 $0x0  }
0x16: {  	s3 =	sld [smem:$0x3FDB];
	s0 =	simm.s32 @p2 $0x1  }
0x17: {  	s4 =	simm.s32 $0x1BF5;
	[smem:$0x3FBC] =	sst s0  }
0x18: {  	s0 =	sld [smem:$0x3F9F];
	_ =	swait.ge [sflag:s4], $0x0  }
0x19: {  	s7 =	sld [smem:$0x3FA0]  }
0x1a: {  	s8 =	sadd.s32 $0xFFFFE003, lr  }
0x1b: {  	s9 =	sadd.s32 $0xFFFFFEF7, lr;
	s5 =	simm.s32 $0xFFFFFFFF;
	p2 =	slt.u32 s8, $0xFFFFF086  }
0x1c: {  	p1 =	slt.u32 s9, $0xF7A;
	s5 =	simm.s32 @!p2 $0x0  }
0x1d: {  	s5 =	simm.s32 @p1 $0x1;
	p0 =	seq.s32 s7, s2  }
0x1e: {  	s7 =	smul.u32 @!p0 $0xF7A, s2;
	p2 =	seq.s32 @!p0 s5, $0x0  }
0x1f: {  	s9 =	smul.u32 $0xF7A, s1;
	s8 =	simm.s32 @!p0 $0x1BF5;
	p2 =	por !p2, p0  }
0x20: {  	[sflag:s8] =	ssyncset.s32 @!p0 $0xFFFFF086;
	s6 =	sadd.s32 @!p0 s3, s7;
	s7 =	simm.s32 @!p0 $0x108  }
0x21: {  	s3 =	sadd.s32 s3, s9;
	s6 =	sadd.s32 @!p0 $0x88, s6;
	s7 =	simm.s32 @p2 $0x1082  }
0x22: {  	[simem:s7], [sflag:s8] =	dma.local @!p0 [hbm:s6], $0xF7A  }
0x23: {  	s9 =	sor.u32 $0xD0000000, s2;
	s6 =	simm.s32 $0x108;
	_ =	swait.ge @!p0 [sflag:s8], $0x0  }
0x24: {  	s3 =	sadd.s32 $0x88, s3;
	s6 =	simm.s32 @!p1 $0x1082;
	[sflag:s4] =	ssyncset.s32 $0xFFFFF086  }
0x25: {  	[simem:s6], [sflag:s4] =	dma.local [hbm:s3], $0xF7A  }
0x26: {  	[smem:$0x3FA0] =	sst s1;
	(tag) =	ssettag s2;
	_ =	strace s9  }
0x27: {  	s1 =	sld [smem:$0x3FB0]  }
0x28: {  	s2 =	sld [smem:$0x3FB1]  }
0x29: {  	s4 =	sld [smem:$0x3FB3]  }
0x2a: {  	p0 =	seq.s32 s5, $0x0;
	s5 =	sld [smem:$0x3FB4]  }
0x2b: {  	s6 =	sld [smem:$0x3FB5]  }
0x2c: {  	s7 =	sld [smem:$0x3FB6]  }
0x2d: {  	s3 =	simm.s32 $0x108;
	s8 =	sld [smem:$0x3FB7]  }
0x2e: {  	s3 =	simm.s32 @!p0 $0x1082;
	s9 =	sld [smem:$0x3FB8]  }
0x2f: {  	lr =	sadd.s32 s0, s3;
	s0 =	sld [smem:$0x3FAF]  }
0x30: {  	s3 =	sld [smem:$0x3FB2]  }
0x31: {  	[smem:$0x3FBB] =	sst s10  }
0x32: {  	s10 =	sld [smem:$0x3FB9];
	_ =	sdelay $0x3  }
0x33: {  	p0 =	seq.s32 s10, $0x1;
	s10 =	sld [smem:$0x3FBB];
	_ =	sdelay $0x3  }
0x34: {  	[smem:$0x3FBB] =	sst s10  }
0x35: {  	s10 =	sld [smem:$0x3FBA];
	_ =	sdelay $0x3  }
0x36: {  	p1 =	seq.s32 s10, $0x1;
	s10 =	sld [smem:$0x3FBB];
	_ =	sdelay $0x3  }
0x37: {  	[smem:$0x3FBB] =	sst s10  }
0x38: {  	s10 =	sld [smem:$0x3FBC]  }
0x39: {  	_ = 	snop;
	(pc) =	sbr.ind lr, $3  }
0x3a: {  	_ = 	snop  }
0x3b: {  	_ = 	snop  }
0x3c: {  	p2 =	seq.s32 s10, $0x1;
	s10 =	sld [smem:$0x3FBB]  }
0x3d: {  	_ =	shalt  }
0x3e: {  	_ =	shalt  }
0x3f: {  	_ =	shalt  }
0x40: {  	_ =	shalt  }
0x41: {  	_ =	shalt  }
0x42: {  	_ =	shalt  }
0x43: {  	_ =	shalt  }
0x44: {  	_ =	shalt  }
0x45: {  	_ =	shalt  }
0x46: {  	_ =	shalt  }
0x47: {  	_ =	shalt  }
0x48: {  	_ =	shalt  }
0x49: {  	_ =	shalt  }
0x4a: {  	_ =	shalt  }
0x4b: {  	_ =	shalt  }
0x4c: {  	_ =	shalt  }
0x4d: {  	_ =	shalt  }
0x4e: {  	_ =	shalt  }
0x4f: {  	_ =	shalt  }
0x50: {  	_ =	shalt  }
0x51: {  	_ =	shalt  }
0x52: {  	_ =	shalt  }
0x53: {  	_ =	shalt  }
0x54: {  	_ =	shalt  }
0x55: {  	_ =	shalt  }
0x56: {  	_ =	shalt  }
0x57: {  	_ =	shalt  }
0x58: {  	_ =	shalt  }
0x59: {  	_ =	shalt  }
0x5a: {  	_ =	shalt  }
0x5b: {  	_ =	shalt  }
0x5c: {  	_ =	shalt  }
0x5d: {  	_ =	shalt  }
0x5e: {  	_ =	shalt  }
0x5f: {  	_ =	shalt  }
0x60: {  	_ =	shalt  }
0x61: {  	_ =	shalt  }
0x62: {  	_ =	shalt  }
0x63: {  	_ =	shalt  }
0x64: {  	_ =	shalt  }
0x65: {  	_ =	shalt  }
0x66: {  	_ =	shalt  }
0x67: {  	_ =	shalt  }
0x68: {  	_ =	shalt  }
0x69: {  	_ =	shalt  }
0x6a: {  	_ =	shalt  }
0x6b: {  	_ =	shalt  }
0x6c: {  	_ =	shalt  }
0x6d: {  	_ =	shalt  }
0x6e: {  	_ =	shalt  }
0x6f: {  	_ =	shalt  }
0x70: {  	_ =	shalt  }
0x71: {  	_ =	shalt  }
0x72: {  	_ =	shalt  }
0x73: {  	_ =	shalt  }
0x74: {  	_ =	shalt  }
0x75: {  	_ =	shalt  }
0x76: {  	_ =	shalt  }
0x77: {  	_ =	shalt  }
0x78: {  	_ =	shalt  }
0x79: {  	_ =	shalt  }
0x7a: {  	_ =	shalt  }
0x7b: {  	_ =	shalt  }
0x7c: {  	_ =	shalt  }
0x7d: {  	_ =	shalt  }
0x7e: {  	_ =	shalt  }
0x7f: {  	_ =	shalt  }
0x80: {  	_ =	shalt  }
0x81: {  	_ =	shalt  }
0x82: {  	_ =	shalt  }
0x83: {  	_ =	shalt  }
0x84: {  	_ =	shalt  }
0x85: {  	_ =	shalt  }
0x86: {  	_ =	shalt  }
0x87: {  	_ =	shalt  }
.Lfunc_end0:
.L_simem_size_0:
called_computation_lowered:
.L_overlay_start_0:
0x88: {  	s2 =	sld [smem:$0x3FD9]  }
0x89: {  	s3 =	sld [smem:$0x3FFE];
	_ =	sdelay $0x1  }
0x8a: {  	s1 =	srdreg.scid  }
0x8b: {  	s0 =	sand.u32 $0x1, s1  }
0x8c: {  	s18 =	sshll.u32 s0, $0xA;
	s2 =	sadd.s32 s3, s2  }
0x8d: {  	s2 =	sadd.s32 s2, s18  }
0x8e: {  	[smem:$0x3FC7] =	sst s2  }
0x8f: {  	_ = 	snop  }
0x90: {  	s2 =	sld [smem:$0x3FC9]  }
0x91: {  	s19 =	sld [smem:$0x3FD0];
	(tm) =	ssettm $0x1  }
0x92: {  	s4 =	sld [smem:$0x3FFB];
	_ =	sdelay $0x3  }
0x93: {  	_ =	strace s4  }
0x94: {  	s4 =	sld [smem:$0x3FFC];
	_ =	sdelay $0x3  }
0x95: {  	_ =	strace s4  }
0x96: {  	s4 =	sld [smem:$0x3FFD];
	_ =	sdelay $0x3  }
0x97: {  	_ =	strace s4  }
0x98: {  	_ =	strace $0x8FFFFFFF  }
0x99: {  	s20 =	sld [smem:$0x3FDB];
	_ =	sdelay $0x1  }
0x9a: {  	s5 =	simm.s32 $_scs_section_size  }
0x9b: {  	s6 =	simm.s32 $_size__tile_overlayer_lowered;
	s7 =	simm.s32 $_tile_overlayer_lowered  }
0x9c: {  	s23 =	simm.s32 $0x1BFF;
	s22 =	sshll.u32 s7, $0x1;
	s4 =	sadd.s32 s5, s20  }
0x9d: {  	s8 =	simm.s32 $0x0;
	s21 =	sshll.u32 s6, $0x1;
	s6 =	sadd.s32 s22, s4  }
0x9e: {  	[timem:s8], [sflag:s23] =	dma.local [hbm:s6], s21  }
0x9f: {  	_ =	swait.ge [sflag:s23], s21  }
0xa0: {  	s5 =	ssub.s32 $0x0, s21;
	[sflag:s23] =	ssyncset.done $0x0  }
0xa1: {  	[sflag:s23] =	ssyncadd.s32 s5;
	_ =	sdelay $0x1  }
0xa2: {  	s24 =	simm.s32 $0x1B8B  }
0xa3: {  	_ =	swait.ge [sflag:s24], $0x1  }
0xa4: {  	[sflag:s24] =	ssyncset.done $0x0  }
0xa5: {  	s25 =	simm.s32 $0x1B8E;
	[sflag:s24] =	ssyncadd.s32 $0xFFFFFFFF  }
0xa6: {  	s26 =	simm.s32 $execute0_lowered;
	[smem:$0x3FD2] =	sst s25  }
0xa7: {  	s5 =	sshll.u32 s26, $0x1;
	_ =	strace $0x80000046;
	[dreg:$0x1] =	wrdreg $0xFFFFFFFF  }
0xa8: {  	s28 =	simm.s32 $_size_execute0_lowered;
	s4 =	sadd.s32 s4, s5;
	[dreg:$0x0] =	wrdreg $0x0  }
0xa9: {  	s5 =	sshll.u32 s28, $0x1;
	[dreg:$0x2] =	wrdreg s4  }
0xaa: {  	[dreg:$0x3] =	wrdreg s5  }
0xab: {  	[dreg:$0x4] =	wrdreg $0xC0  }
0xac: {  	_ =	task [dreg:s8], $0x5FFFF  }
0xad: {  	[dreg:$0x1] =	wrdreg $0xFFFFFFFF  }
0xae: {  	[dreg:$0x0] =	wrdreg $0x60  }
0xaf: {  	[dreg:$0x2] =	wrdreg s2  }
0xb0: {  	[dreg:$0x3] =	wrdreg s19  }
0xb1: {  	[dreg:$0x4] =	wrdreg $0x9  }
0xb2: {  	_ =	task.clear_ibuf [dreg:s8], $0x5FFFF;
	_ =	strace $0x90000046  }
0xb3: {  	s29 =	simm.s32 $0x9;
	_ =	strace $0x80000048  }
0xb4: {  	_ =	swait.ge [sflag:s29], $0x1  }
0xb5: {  	[sflag:s29] =	ssyncadd.s32 $0xFFFFFFFF  }
0xb6: {  	_ =	strace $0x90000048  }
0xb7: {  	_ =	sfence  }
0xb8: {  	s30 =	sld [smem:$0x0];
	_ =	sdelay $0x2  }
0xb9: {  	s31 =	sshll.u32 s1, $0xD;
	s1 =	sshrl.u32 s1, $0x2  }
0xba: {  	s3 =	sand.u32 $0x4000, s31;
	s1 =	sadd.s32 s1, s30  }
0xbb: {  	s0 =	sor.u32 s3, s0;
	s1 =	sshll.u32 s1, $0x11  }
0xbc: {  	s0 =	sor.u32 s1, s0  }
0xbd: {  	s0 =	sadd.s32 $0x8F2B, s0  }
0xbe: {  	[sflag:s0] =	ssyncadd.remote.s32 $0x1  }
0xbf: {  	_ =	sfence.sel $0xFFFF  }
0xc0: {  	[dreg:$0x0] =	wrdreg $0xFFFFFFFF;
	(pc) =	sbr.abs _section_cstart, $3  }
0xc1: {  	[dreg:$0x1] =	wrdreg $0xFFFFFFFF  }
0xc2: {  	_ =	task.clear_ibuf [dreg:s8], $0x2FFFF;
	_ =	strace $0x9FFFFFFF  }
0xc3: {  	(tm) =	ssettm $0x7FFFFFFF  }
tec
execute0_lowered:
.L_overlay_start_1:
0x0: {  	(tag) =	ssettag $0x1  }
0x1: {  	v0 =	vlaneseq.u32  }
0x2: {  	v14 =	vmul.u32 $0x80, v0;
	v3 =	vor.u32 $0x10, v0;
	v5 =	vor.u32 $0x20, v0  }
0x3: {  	v7 =	vor.u32 $0x30, v0;
	v9 =	vor.u32 $0x40, v0;
	v11 =	vor.u32 $0x50, v0  }
0x4: {  	v13 =	vor.u32 $0x60, v0;
	v15 =	vor.u32 $0x70, v0;
	v16 =	vor.u32 $0x80, v0  }
0x5: {  	v17 =	vor.u32 $0x90, v0;
	v18 =	vor.u32 $0xA0, v0;
	v19 =	vor.u32 $0xB0, v0  }
0x6: {  	v20 =	vor.u32 $0xC0, v0;
	v21 =	vor.u32 $0xD0, v0;
	v22 =	vor.u32 $0xE0, v0  }
0x7: {  	v23 =	vor.u32 $0xF0, v0;
	v24 =	vor.u32 $0x100, v0;
	v25 =	vor.u32 $0x110, v0  }
0x8: {  	v26 =	vor.u32 $0x120, v0;
	v27 =	vor.u32 $0x130, v0;
	v28 =	vor.u32 $0x140, v0  }
0x9: {  	v29 =	vor.u32 $0x150, v0;
	v30 =	vor.u32 $0x160, v0;
	v31 =	vor.u32 $0x170, v0  }
0xa: {  	v32 =	vor.u32 $0x180, v0;
	v33 =	vor.u32 $0x190, v0;
	v34 =	vor.u32 $0x1A0, v0  }
0xb: {  	s1 =	srdreg.scid;
	v35 =	vor.u32 $0x1B0, v0;
	v36 =	vor.u32 $0x1C0, v0;
	v37 =	vor.u32 $0x1D0, v0  }
0xc: {  	s3 =	rddreg [dreg:$0x0];
	s0 =	stileid.u32;
	v38 =	vor.u32 $0x1E0, v0;
	v39 =	vor.u32 $0x1F0, v0;
	v40 =	vor.u32 $0x200, v0  }
0xd: {  	s11 =	rddreg [dreg:$0x1];
	s14 =	simm.s32 $0x8000;
	s15 =	simm.s32 $0x4000;
	v41 =	vor.u32 $0x210, v0;
	v42 =	vor.u32 $0x220, v0;
	v43 =	vor.u32 $0x230, v0  }
0xe: {  	s16 =	simm.s32 $0x1;
	s17 =	simm.s32 $0x2;
	s4 =	sand.u32 $0x1, s1;
	v44 =	vor.u32 $0x240, v0;
	v45 =	vor.u32 $0x250, v0;
	v46 =	vor.u32 $0x260, v0  }
0xf: {  	s18 =	simm.s32 $0x3;
	s2 =	sshll.u32 s0, $0xB;
	v47 =	vor.u32 $0x270, v0;
	v48 =	vor.u32 $0x280, v0;
	v49 =	vor.u32 $0x290, v0;
	s5 =	sshll.u32 s4, $0xA  }
0x10: {  	s1 =	rddreg [dreg:$0x2];
	v50 =	vor.u32 $0x2A0, v0;
	v51 =	vor.u32 $0x2B0, v0;
	v52 =	vor.u32 $0x2C0, v0;
	s4 =	ssub.s32 $0x2, s4;
	s10 =	sor.u32 s5, s2  }
0x11: {  	v53 =	vor.u32 $0x2D0, v0;
	v54 =	vor.u32 $0x2E0, v0;
	v55 =	vor.u32 $0x2F0, v0;
	s2 =	simm.s32 $0x0;
	s6 =	sshrl.u32 s4, $0x1;
	s5 =	sshll.u32 s10, $0x9  }
0x12: {  	v56 =	vor.u32 $0x300, v0;
	v57 =	vor.u32 $0x310, v0;
	v58 =	vor.u32 $0x320, v0;
	[tilespmem:$0x1FFF0] =	vst v3;
	[smem:$0x7FF] =	sst s2;
	s12 =	ssub.s32 s4, s6;
	s13 =	sshrl.u32 s10, $0x3  }
0x13: {  	v59 =	vor.u32 $0x330, v0;
	v60 =	vor.u32 $0x340, v0;
	v61 =	vor.u32 $0x350, v0;
	s3 =	sadd.s32 s3, s5;
	_ =	strace $0x80000047;
	s11 =	sadd.s32 s11, s13  }
0x14: {  	v62 =	vor.u32 $0x360, v0;
	v1 =	vor.u32 $0x3, v14;
	v2 =	vor.u32 $0x803, v14;
	s12 =	smax.u32 s12, $0x1;
	s13 =	simm.s32 $0x400;
	s4 =	sadd.s32 $0x10000, s3  }
0x15: {  	v4 =	vor.u32 $0x1003, v14;
	v6 =	vor.u32 $0x1803, v14;
	v8 =	vor.u32 $0x2003, v14;
	s5 =	sadd.s32 $0x20000, s3;
	s6 =	sadd.s32 $0x30000, s3;
	s7 =	sadd.s32 $0x40000, s3  }
0x16: {  	v10 =	vor.u32 $0x2803, v14;
	v12 =	vor.u32 $0x3003, v14;
	v14 =	vor.u32 $0x3803, v14;
	s8 =	sadd.s32 $0x50000, s3;
	s9 =	sadd.s32 $0x60000, s3;
	s10 =	sadd.s32 $0x70000, s3  }
.LBB2_1:
0x17: {  	[tilespmem:s2], [sflag:$0x1] =	stream.strided.gather [hbm4b:s3+s13], $0x4000, s14, s13, $0x38;
	[tilespmem:$0x8400] =	vst v63  }
0x18: {  	_ = 	snop  }
0x19: {  	[tilespmem:s15], [sflag:$0x2] =	stream.strided.gather [hbm4b:s4+s13], $0x4000, s14, s13, $0x38;
	[tilespmem:$0x8400] =	vst v63  }
0x1a: {  	_ =	swait.ge [sflag:s16], $0x4000  }
0x1b: {  	[sflag:s16] =	ssyncset.done $0x0  }
0x1c: {  	[sflag:s16] =	ssyncadd.s32 $0xFFFFC000  }
0x1d: {  	v63 =	vld.idx.msk [tilespmem:v1+s2+$0x0], $0xffff;
	_ =	sdelay $0x2  }
0x1e: {  	v3 =	vld [tilespmem:$0x1FFF0];
	_ =	sdelay $0x1  }
0x1f: {  	[tilespmem:v0+s14+$0x0] =	vst.idx.msk $0xffff, v63  }
0x20: {  	v63 =	vld.idx.msk [tilespmem:v2+s2+$0x0], $0xffff;
	_ =	sdelay $0x4  }
0x21: {  	[tilespmem:v3+s14+$0x0] =	vst.idx.msk $0xffff, v63  }
0x22: {  	v63 =	vld.idx.msk [tilespmem:v4+s2+$0x0], $0xffff;
	_ =	sdelay $0x4  }
0x23: {  	[tilespmem:v5+s14+$0x0] =	vst.idx.msk $0xffff, v63  }
0x24: {  	v63 =	vld.idx.msk [tilespmem:v6+s2+$0x0], $0xffff;
	_ =	sdelay $0x4  }
0x25: {  	[tilespmem:v7+s14+$0x0] =	vst.idx.msk $0xffff, v63  }
0x26: {  	v63 =	vld.idx.msk [tilespmem:v8+s2+$0x0], $0xffff;
	_ =	sdelay $0x4  }
0x27: {  	[tilespmem:v9+s14+$0x0] =	vst.idx.msk $0xffff, v63  }
0x28: {  	v63 =	vld.idx.msk [tilespmem:v10+s2+$0x0], $0xffff;
	_ =	sdelay $0x4  }
0x29: {  	[tilespmem:v11+s14+$0x0] =	vst.idx.msk $0xffff, v63  }
0x2a: {  	v63 =	vld.idx.msk [tilespmem:v12+s2+$0x0], $0xffff;
	_ =	sdelay $0x4  }
0x2b: {  	[tilespmem:v13+s14+$0x0] =	vst.idx.msk $0xffff, v63  }
0x2c: {  	v63 =	vld.idx.msk [tilespmem:v14+s2+$0x0], $0xffff;
	_ =	sdelay $0x4  }
0x2d: {  	[tilespmem:v15+s14+$0x0] =	vst.idx.msk $0xffff, v63  }
0x2e: {  	[tilespmem:s2], [sflag:$0x1] =	stream.strided.gather [hbm4b:s5+s13], $0x4000, s14, s13, $0x38;
	[tilespmem:$0x8400] =	vst v63  }
0x2f: {  	_ =	swait.ge [sflag:s17], $0x4000  }
0x30: {  	[sflag:s17] =	ssyncset.done $0x0  }
0x31: {  	[sflag:s17] =	ssyncadd.s32 $0xFFFFC000  }
0x32: {  	v63 =	vld.idx.msk [tilespmem:v1+s15+$0x0], $0xffff;
	_ =	sdelay $0x4  }
0x33: {  	[tilespmem:v16+s14+$0x0] =	vst.idx.msk $0xffff, v63  }
0x34: {  	v63 =	vld.idx.msk [tilespmem:v2+s15+$0x0], $0xffff;
	_ =	sdelay $0x4  }
0x35: {  	[tilespmem:v17+s14+$0x0] =	vst.idx.msk $0xffff, v63  }
0x36: {  	v63 =	vld.idx.msk [tilespmem:v4+s15+$0x0], $0xffff;
	_ =	sdelay $0x4  }
0x37: {  	[tilespmem:v18+s14+$0x0] =	vst.idx.msk $0xffff, v63  }
0x38: {  	v63 =	vld.idx.msk [tilespmem:v6+s15+$0x0], $0xffff;
	_ =	sdelay $0x4  }
0x39: {  	[tilespmem:v19+s14+$0x0] =	vst.idx.msk $0xffff, v63  }
0x3a: {  	v63 =	vld.idx.msk [tilespmem:v8+s15+$0x0], $0xffff;
	_ =	sdelay $0x4  }
0x3b: {  	[tilespmem:v20+s14+$0x0] =	vst.idx.msk $0xffff, v63  }
0x3c: {  	v63 =	vld.idx.msk [tilespmem:v10+s15+$0x0], $0xffff;
	_ =	sdelay $0x4  }
0x3d: {  	[tilespmem:v21+s14+$0x0] =	vst.idx.msk $0xffff, v63  }
0x3e: {  	v63 =	vld.idx.msk [tilespmem:v12+s15+$0x0], $0xffff;
	_ =	sdelay $0x4  }
0x3f: {  	[tilespmem:v22+s14+$0x0] =	vst.idx.msk $0xffff, v63  }
0x40: {  	v63 =	vld.idx.msk [tilespmem:v14+s15+$0x0], $0xffff;
	_ =	sdelay $0x4  }
0x41: {  	[tilespmem:v23+s14+$0x0] =	vst.idx.msk $0xffff, v63  }
0x42: {  	[tilespmem:s15], [sflag:$0x2] =	stream.strided.gather [hbm4b:s6+s13], $0x4000, s14, s13, $0x38;
	[tilespmem:$0x8400] =	vst v63  }
0x43: {  	_ =	swait.ge [sflag:s16], $0x4000  }
0x44: {  	[sflag:s16] =	ssyncset.done $0x0  }
0x45: {  	[sflag:s16] =	ssyncadd.s32 $0xFFFFC000  }
0x46: {  	v63 =	vld.idx.msk [tilespmem:v1+s2+$0x0], $0xffff;
	_ =	sdelay $0x4  }
0x47: {  	[tilespmem:v24+s14+$0x0] =	vst.idx.msk $0xffff, v63  }
0x48: {  	v63 =	vld.idx.msk [tilespmem:v2+s2+$0x0], $0xffff;
	_ =	sdelay $0x4  }
0x49: {  	[tilespmem:v25+s14+$0x0] =	vst.idx.msk $0xffff, v63  }
0x4a: {  	v63 =	vld.idx.msk [tilespmem:v4+s2+$0x0], $0xffff;
	_ =	sdelay $0x4  }
0x4b: {  	[tilespmem:v26+s14+$0x0] =	vst.idx.msk $0xffff, v63  }
0x4c: {  	v63 =	vld.idx.msk [tilespmem:v6+s2+$0x0], $0xffff;
	_ =	sdelay $0x4  }
0x4d: {  	[tilespmem:v27+s14+$0x0] =	vst.idx.msk $0xffff, v63  }
0x4e: {  	v63 =	vld.idx.msk [tilespmem:v8+s2+$0x0], $0xffff;
	_ =	sdelay $0x4  }
0x4f: {  	[tilespmem:v28+s14+$0x0] =	vst.idx.msk $0xffff, v63  }
0x50: {  	v63 =	vld.idx.msk [tilespmem:v10+s2+$0x0], $0xffff;
	_ =	sdelay $0x4  }
0x51: {  	[tilespmem:v29+s14+$0x0] =	vst.idx.msk $0xffff, v63  }
0x52: {  	v63 =	vld.idx.msk [tilespmem:v12+s2+$0x0], $0xffff;
	_ =	sdelay $0x4  }
0x53: {  	[tilespmem:v30+s14+$0x0] =	vst.idx.msk $0xffff, v63  }
0x54: {  	v63 =	vld.idx.msk [tilespmem:v14+s2+$0x0], $0xffff;
	_ =	sdelay $0x4  }
0x55: {  	[tilespmem:v31+s14+$0x0] =	vst.idx.msk $0xffff, v63  }
0x56: {  	[tilespmem:s2], [sflag:$0x1] =	stream.strided.gather [hbm4b:s7+s13], $0x4000, s14, s13, $0x38;
	[tilespmem:$0x8400] =	vst v63  }
0x57: {  	_ =	swait.ge [sflag:s17], $0x4000  }
0x58: {  	[sflag:s17] =	ssyncset.done $0x0  }
0x59: {  	[sflag:s17] =	ssyncadd.s32 $0xFFFFC000  }
0x5a: {  	v63 =	vld.idx.msk [tilespmem:v1+s15+$0x0], $0xffff;
	_ =	sdelay $0x4  }
0x5b: {  	[tilespmem:v32+s14+$0x0] =	vst.idx.msk $0xffff, v63  }
0x5c: {  	v63 =	vld.idx.msk [tilespmem:v2+s15+$0x0], $0xffff;
	_ =	sdelay $0x4  }
0x5d: {  	[tilespmem:v33+s14+$0x0] =	vst.idx.msk $0xffff, v63  }
0x5e: {  	v63 =	vld.idx.msk [tilespmem:v4+s15+$0x0], $0xffff;
	_ =	sdelay $0x4  }
0x5f: {  	[tilespmem:v34+s14+$0x0] =	vst.idx.msk $0xffff, v63  }
0x60: {  	v63 =	vld.idx.msk [tilespmem:v6+s15+$0x0], $0xffff;
	_ =	sdelay $0x4  }
0x61: {  	[tilespmem:v35+s14+$0x0] =	vst.idx.msk $0xffff, v63  }
0x62: {  	v63 =	vld.idx.msk [tilespmem:v8+s15+$0x0], $0xffff;
	_ =	sdelay $0x4  }
0x63: {  	[tilespmem:v36+s14+$0x0] =	vst.idx.msk $0xffff, v63  }
0x64: {  	v63 =	vld.idx.msk [tilespmem:v10+s15+$0x0], $0xffff;
	_ =	sdelay $0x4  }
0x65: {  	[tilespmem:v37+s14+$0x0] =	vst.idx.msk $0xffff, v63  }
0x66: {  	v63 =	vld.idx.msk [tilespmem:v12+s15+$0x0], $0xffff;
	_ =	sdelay $0x4  }
0x67: {  	[tilespmem:v38+s14+$0x0] =	vst.idx.msk $0xffff, v63  }
0x68: {  	v63 =	vld.idx.msk [tilespmem:v14+s15+$0x0], $0xffff;
	_ =	sdelay $0x4  }
0x69: {  	[tilespmem:v39+s14+$0x0] =	vst.idx.msk $0xffff, v63  }
0x6a: {  	[tilespmem:s15], [sflag:$0x2] =	stream.strided.gather [hbm4b:s8+s13], $0x4000, s14, s13, $0x38;
	[tilespmem:$0x8400] =	vst v63  }
0x6b: {  	_ =	swait.ge [sflag:s16], $0x4000  }
0x6c: {  	[sflag:s16] =	ssyncset.done $0x0  }
0x6d: {  	[sflag:s16] =	ssyncadd.s32 $0xFFFFC000  }
0x6e: {  	v63 =	vld.idx.msk [tilespmem:v1+s2+$0x0], $0xffff;
	_ =	sdelay $0x4  }
0x6f: {  	[tilespmem:v40+s14+$0x0] =	vst.idx.msk $0xffff, v63  }
0x70: {  	v63 =	vld.idx.msk [tilespmem:v2+s2+$0x0], $0xffff;
	_ =	sdelay $0x4  }
0x71: {  	[tilespmem:v41+s14+$0x0] =	vst.idx.msk $0xffff, v63  }
0x72: {  	v63 =	vld.idx.msk [tilespmem:v4+s2+$0x0], $0xffff;
	_ =	sdelay $0x4  }
0x73: {  	[tilespmem:v42+s14+$0x0] =	vst.idx.msk $0xffff, v63  }
0x74: {  	v63 =	vld.idx.msk [tilespmem:v6+s2+$0x0], $0xffff;
	_ =	sdelay $0x4  }
0x75: {  	[tilespmem:v43+s14+$0x0] =	vst.idx.msk $0xffff, v63  }
0x76: {  	v63 =	vld.idx.msk [tilespmem:v8+s2+$0x0], $0xffff;
	_ =	sdelay $0x4  }
0x77: {  	[tilespmem:v44+s14+$0x0] =	vst.idx.msk $0xffff, v63  }
0x78: {  	v63 =	vld.idx.msk [tilespmem:v10+s2+$0x0], $0xffff;
	_ =	sdelay $0x4  }
0x79: {  	[tilespmem:v45+s14+$0x0] =	vst.idx.msk $0xffff, v63  }
0x7a: {  	v63 =	vld.idx.msk [tilespmem:v12+s2+$0x0], $0xffff;
	_ =	sdelay $0x4  }
0x7b: {  	[tilespmem:v46+s14+$0x0] =	vst.idx.msk $0xffff, v63  }
0x7c: {  	v63 =	vld.idx.msk [tilespmem:v14+s2+$0x0], $0xffff;
	_ =	sdelay $0x4  }
0x7d: {  	[tilespmem:v47+s14+$0x0] =	vst.idx.msk $0xffff, v63  }
0x7e: {  	[tilespmem:s2], [sflag:$0x1] =	stream.strided.gather [hbm4b:s9+s13], $0x4000, s14, s13, $0x38;
	[tilespmem:$0x8400] =	vst v63  }
0x7f: {  	_ =	swait.ge [sflag:s17], $0x4000  }
0x80: {  	[sflag:s17] =	ssyncset.done $0x0  }
0x81: {  	[sflag:s17] =	ssyncadd.s32 $0xFFFFC000  }
0x82: {  	v63 =	vld.idx.msk [tilespmem:v1+s15+$0x0], $0xffff;
	_ =	sdelay $0x4  }
0x83: {  	[tilespmem:v48+s14+$0x0] =	vst.idx.msk $0xffff, v63  }
0x84: {  	v63 =	vld.idx.msk [tilespmem:v2+s15+$0x0], $0xffff;
	_ =	sdelay $0x4  }
0x85: {  	[tilespmem:v49+s14+$0x0] =	vst.idx.msk $0xffff, v63  }
0x86: {  	v63 =	vld.idx.msk [tilespmem:v4+s15+$0x0], $0xffff;
	_ =	sdelay $0x4  }
0x87: {  	[tilespmem:v50+s14+$0x0] =	vst.idx.msk $0xffff, v63  }
0x88: {  	v63 =	vld.idx.msk [tilespmem:v6+s15+$0x0], $0xffff;
	_ =	sdelay $0x4  }
0x89: {  	[tilespmem:v51+s14+$0x0] =	vst.idx.msk $0xffff, v63  }
0x8a: {  	v63 =	vld.idx.msk [tilespmem:v8+s15+$0x0], $0xffff;
	_ =	sdelay $0x4  }
0x8b: {  	[tilespmem:v52+s14+$0x0] =	vst.idx.msk $0xffff, v63  }
0x8c: {  	v63 =	vld.idx.msk [tilespmem:v10+s15+$0x0], $0xffff;
	_ =	sdelay $0x4  }
0x8d: {  	[tilespmem:v53+s14+$0x0] =	vst.idx.msk $0xffff, v63  }
0x8e: {  	v63 =	vld.idx.msk [tilespmem:v12+s15+$0x0], $0xffff;
	_ =	sdelay $0x4  }
0x8f: {  	[tilespmem:v54+s14+$0x0] =	vst.idx.msk $0xffff, v63  }
0x90: {  	v63 =	vld.idx.msk [tilespmem:v14+s15+$0x0], $0xffff;
	_ =	sdelay $0x4  }
0x91: {  	[tilespmem:v55+s14+$0x0] =	vst.idx.msk $0xffff, v63  }
0x92: {  	[tilespmem:s15], [sflag:$0x2] =	stream.strided.gather [hbm4b:s10+s13], $0x4000, s14, s13, $0x38;
	[tilespmem:$0x8400] =	vst v63  }
0x93: {  	_ =	swait.ge [sflag:s16], $0x4000  }
0x94: {  	[sflag:s16] =	ssyncset.done $0x0  }
0x95: {  	[sflag:s16] =	ssyncadd.s32 $0xFFFFC000  }
0x96: {  	v63 =	vld.idx.msk [tilespmem:v1+s2+$0x0], $0xffff;
	_ =	sdelay $0x4  }
0x97: {  	[tilespmem:v56+s14+$0x0] =	vst.idx.msk $0xffff, v63  }
0x98: {  	v63 =	vld.idx.msk [tilespmem:v2+s2+$0x0], $0xffff;
	_ =	sdelay $0x4  }
0x99: {  	[tilespmem:v57+s14+$0x0] =	vst.idx.msk $0xffff, v63  }
0x9a: {  	v63 =	vld.idx.msk [tilespmem:v4+s2+$0x0], $0xffff;
	_ =	sdelay $0x4  }
0x9b: {  	[tilespmem:v58+s14+$0x0] =	vst.idx.msk $0xffff, v63  }
0x9c: {  	v63 =	vld.idx.msk [tilespmem:v6+s2+$0x0], $0xffff;
	_ =	sdelay $0x4  }
0x9d: {  	[tilespmem:v59+s14+$0x0] =	vst.idx.msk $0xffff, v63  }
0x9e: {  	v63 =	vld.idx.msk [tilespmem:v8+s2+$0x0], $0xffff;
	_ =	sdelay $0x4  }
0x9f: {  	[tilespmem:v60+s14+$0x0] =	vst.idx.msk $0xffff, v63  }
0xa0: {  	v63 =	vld.idx.msk [tilespmem:v10+s2+$0x0], $0xffff;
	_ =	sdelay $0x4  }
0xa1: {  	[tilespmem:v61+s14+$0x0] =	vst.idx.msk $0xffff, v63  }
0xa2: {  	v63 =	vld.idx.msk [tilespmem:v12+s2+$0x0], $0xffff;
	_ =	sdelay $0x4  }
0xa3: {  	[tilespmem:v62+s14+$0x0] =	vst.idx.msk $0xffff, v63  }
0xa4: {  	v3 =	vor.u32 $0x370, v0;
	v63 =	vld.idx.msk [tilespmem:v14+s2+$0x0], $0xffff;
	_ =	sdelay $0x4  }
0xa5: {  	[tilespmem:v3+s14+$0x0] =	vst.idx.msk $0xffff, v63  }
0xa6: {  	_ =	swait.ge [sflag:s17], $0x4000  }
0xa7: {  	[sflag:s17] =	ssyncset.done $0x0  }
0xa8: {  	[sflag:s17] =	ssyncadd.s32 $0xFFFFC000  }
0xa9: {  	v63 =	vor.u32 $0x380, v0;
	v3 =	vld.idx.msk [tilespmem:v1+s15+$0x0], $0xffff;
	_ =	sdelay $0x4  }
0xaa: {  	[tilespmem:v63+s14+$0x0] =	vst.idx.msk $0xffff, v3  }
0xab: {  	v63 =	vor.u32 $0x390, v0;
	v3 =	vld.idx.msk [tilespmem:v2+s15+$0x0], $0xffff;
	_ =	sdelay $0x4  }
0xac: {  	[tilespmem:v63+s14+$0x0] =	vst.idx.msk $0xffff, v3  }
0xad: {  	v63 =	vor.u32 $0x3A0, v0;
	v3 =	vld.idx.msk [tilespmem:v4+s15+$0x0], $0xffff;
	_ =	sdelay $0x4  }
0xae: {  	[tilespmem:v63+s14+$0x0] =	vst.idx.msk $0xffff, v3  }
0xaf: {  	v63 =	vor.u32 $0x3B0, v0;
	v3 =	vld.idx.msk [tilespmem:v6+s15+$0x0], $0xffff;
	_ =	sdelay $0x4  }
0xb0: {  	[tilespmem:v63+s14+$0x0] =	vst.idx.msk $0xffff, v3  }
0xb1: {  	v63 =	vor.u32 $0x3C0, v0;
	v3 =	vld.idx.msk [tilespmem:v8+s15+$0x0], $0xffff;
	_ =	sdelay $0x4  }
0xb2: {  	[tilespmem:v63+s14+$0x0] =	vst.idx.msk $0xffff, v3  }
0xb3: {  	v63 =	vor.u32 $0x3D0, v0;
	v3 =	vld.idx.msk [tilespmem:v10+s15+$0x0], $0xffff;
	_ =	sdelay $0x4  }
0xb4: {  	[tilespmem:v63+s14+$0x0] =	vst.idx.msk $0xffff, v3  }
0xb5: {  	v63 =	vor.u32 $0x3E0, v0;
	v3 =	vld.idx.msk [tilespmem:v12+s15+$0x0], $0xffff;
	_ =	sdelay $0x4  }
0xb6: {  	[tilespmem:v63+s14+$0x0] =	vst.idx.msk $0xffff, v3  }
0xb7: {  	v63 =	vor.u32 $0x3F0, v0;
	v3 =	vld.idx.msk [tilespmem:v14+s15+$0x0], $0xffff;
	_ =	sdelay $0x3  }
0xb8: {  	p0 =	sne.s32 s12, $0x1  }
.Ltmp0:
0xb9: {  	[tilespmem:v63+s14+$0x0] =	vst.idx.msk $0xffff, v3;
	(pc) =	sbr.rel @p0 .LBB2_1-.Ltmp0, $4  }
0xba: {  	[hbm4b:s11+s2] =	stream.linear.scatter [tilespmem:s14], [sflag:$0x3], $0x400, $0x38;
	[tilespmem:$0x8400] =	vst v63  }
0xbb: {  	_ =	swait.ge [sflag:s18], $0x400  }
0xbc: {  	[sflag:s18] =	ssyncset.done $0x0  }
0xbd: {  	s12 =	sadd.s32 $0xFFFFFFFF, s12;
	[sflag:s18] =	ssyncadd.s32 $0xFFFFFC00  }
0xbe: {  	_ =	sfence.sel $0x180000  }
0xbf: {  	[bflag:$0x0] =	sbarrier.arrive $0xFFFF  }
0xc0: {  	p0 =	sne.s32 s0, $0x0;
	_ =	strace $0x90000047  }
0xc1: {  	s0 =	sadd.s32 @!p0 $0x100000, s1;
	[bflag:$0x2] =	sbarrier.arrive $0xFFFF  }
0xc2: {  	[sflag:s0] =	ssyncadd.tile.s32 @!p0 $0x1;
	_ =	shalt  }
.Lfunc_end2:
_tile_overlayer_lowered:
.L_overlay_start_2:
0xc3: {  	(tag) =	ssettag $0x2  }
0xc4: {  	s0 =	rddreg [dreg:$0x0];
	s2 =	stileid.u32  }
0xc5: {  	s1 =	rddreg [dreg:$0x1];
	p0 =	sne.s32 s2, $0x0  }
0xc6: {  	s3 =	rddreg [dreg:$0x2];
	[bflag:$0x3] =	sbarrier.arrive $0xFFFF;
	s2 =	simm.s32 @!p0 $0x1C03  }
0xc7: {  	[timem:s3], [sflag:s2] =	dma.local @!p0 [hbm:s0], s1  }
0xc8: {  	s0 =	simm.s32 @!p0 $0x3  }
0xc9: {  	_ =	swait.ge @!p0 [sflag:s0], s1  }
0xca: {  	s1 =	ssub.s32 @!p0 $0x0, s1;
	[sflag:s0] =	ssyncset.done @!p0 $0x0  }
0xcb: {  	[sflag:s0] =	ssyncadd.s32 @!p0 s1  }
0xcc: {  	[bflag:$0x3] =	sbarrier.arrive $0xFFFF  }
0xcd: {  	_ =	shalt  }

</sc_bundles>
